<compile_context>
chip_gen: v7x
topology: tpu7x:2x2x1
jax: 0.10.2.dev20260603
libtpu: 0.0.44.dev20260713+nightly
codegen_flags: <defaults>
</compile_context>

<pallas_src>
import functools

import jax
import jax.numpy as jnp
from jax import lax
from jax.experimental import pallas as pl
from jax.experimental.pallas import tpu as pltpu
from jax.experimental.pallas import tpu_sc as plsc

_VOCAB = 1000000
_EMBED_DIM = 32
_BATCH = 16384

_info = plsc.get_sparse_core_info()
_NC, _NS = _info.num_cores, _info.num_subcores
_NW = _NC * _NS
_B_PER_W = _BATCH // _NW
_LANES = _info.num_lanes
_GRP = 8

_mesh = plsc.VectorSubcoreMesh(core_axis_name="c", subcore_axis_name="s")


@functools.partial(
    pl.kernel,
    mesh=_mesh,
    out_type=jax.ShapeDtypeStruct((_EMBED_DIM, _BATCH), jnp.float32),
    scratch_types=[
        pltpu.VMEM((_B_PER_W,), jnp.int32),
        pltpu.VMEM((2, _GRP, _EMBED_DIM, 128), jnp.float32),
        pltpu.VMEM((_EMBED_DIM, _B_PER_W), jnp.float32),
        pltpu.SemaphoreType.DMA,
        pltpu.SemaphoreType.DMA,
    ],
    compiler_params=pltpu.CompilerParams(
        use_tc_tiling_on_sc=True, needs_layout_passes=False
    ),
)
def _gather_kernel(idx_hbm, tab_hbm, out_hbm, idx_v, ring, vals, sem0, sem1):
    wid = lax.axis_index("s") * _NC + lax.axis_index("c")
    base = wid * _B_PER_W
    pltpu.sync_copy(idx_hbm.at[pl.ds(base, _B_PER_W)], idx_v)

    d_lo = lax.iota(jnp.int32, _LANES)
    d_hi = d_lo + _LANES
    sems = [sem0, sem1]

    def fire(p, col, off):
        for j in range(_GRP):
            pltpu.async_copy(
                tab_hbm.at[:, pl.ds(col[off + j] * 128, 128)],
                ring.at[p, j],
                sems[p],
            )

    def extract(p, lane_vec, off, i0):
        for j in range(_GRP):
            pltpu.make_async_copy(
                tab_hbm.at[:, pl.ds(0, 128)], ring.at[p, j], sems[p]
            ).wait()
        for j in range(_GRP):
            lv = jnp.full((_LANES,), lane_vec[off + j], jnp.int32)
            buf = ring.at[p, j]
            v_lo = plsc.load_gather(buf, [d_lo, lv])
            v_hi = plsc.load_gather(buf, [d_hi, lv])
            i_vec = jnp.full((_LANES,), i0 + j, jnp.int32)
            plsc.store_scatter(vals, [d_lo, i_vec], v_lo)
            plsc.store_scatter(vals, [d_hi, i_vec], v_hi)

    def body(k, lane_prev):
        vec = idx_v[pl.ds(k * _LANES, _LANES)]
        col = lax.shift_right_logical(vec, 7)
        lane = lax.bitwise_and(vec, 127)
        fire(0, col, 0)

        @pl.when(k > 0)
        def _():
            extract(1, lane_prev, _GRP, (2 * k - 1) * _GRP)

        fire(1, col, _GRP)
        extract(0, lane, 0, 2 * k * _GRP)
        return lane

    lane_last = lax.fori_loop(0, _B_PER_W // _LANES, body, d_lo)
    extract(1, lane_last, _GRP, _B_PER_W - _GRP)

    pltpu.sync_copy(vals, out_hbm.at[:, pl.ds(base, _B_PER_W)])


def kernel(node_feats, table):
    out_t = _gather_kernel(node_feats.astype(jnp.int32), jnp.transpose(table))
    return jnp.transpose(out_t)

# --- scband reference (transcript-rebuilt; emitter-appended) ---
"""Pipeline reference for scband-node-embedding-7713761263919 (READ-ONLY COPY).

The authoritative reference and input builder live on the scoring server;
editing this copy changes nothing except your own understanding.
"""

import jax, jax.numpy as jnp
import numpy as np

VOCAB = 1000000
EMBED_DIM = 32
BATCH = 16384

def setup_inputs(seed: int = 0) -> dict:
    key = jax.random.key(seed)
    k_idx, k_tab = jax.random.split(key)
    node_feats = jax.random.randint(k_idx, (BATCH,), 0, VOCAB, dtype=jnp.int64 if jax.config.jax_enable_x64 else jnp.int32)
    table = jax.random.normal(k_tab, (VOCAB, EMBED_DIM), dtype=jnp.float32)
    return {"node_feats": node_feats, "table": table}

def reference(node_feats, table):
    # NodeEmbedding with use_id=True: plain embedding lookup
    x = jnp.take(table, node_feats, axis=0)
    return x

if __name__ == "__main__":
    import jax
    _d = setup_inputs()
    print(jax.jit(kernel)(*tuple(_d.values())))

</pallas_src>

<mosaic_0001>
#map = affine_map<(d0, d1) -> (0)>
#map1 = affine_map<(d0, d1) -> (0, 0)>
module attributes {stable_mosaic.version = 14 : i64} {
  func.func @_gather_kernel(%arg0: i32, %arg1: i32, %arg2: memref<16384xi32, #tpu.memory_space<hbm>>, %arg3: memref<32x1000000xf32, #tpu.memory_space<hbm>>, %arg4: memref<32x16384xf32, #tpu.memory_space<hbm>>, %arg5: memref<512xi32, #tpu.memory_space<vmem>>, %arg6: memref<2x8x32x128xf32, #tpu.memory_space<vmem>>, %arg7: memref<32x512xf32, #tpu.memory_space<vmem>>, %arg8: memref<!tpu.dma_semaphore, #tpu.memory_space<semaphore_mem>>, %arg9: memref<!tpu.dma_semaphore, #tpu.memory_space<semaphore_mem>>) attributes {dimension_semantics = [#tpu.dimension_semantics<core_parallel>, #tpu.dimension_semantics<subcore_parallel>], iteration_bounds = array<i64: 2, 16>, scalar_prefetch = 0 : i64, scratch_operands = 5 : i64, tpu.core_type = #tpu.core_type<sc_vector_subcore>, window_params = [{transform_indices = #map}, {transform_indices = #map1}, {transform_indices = #map1}]} {
    %mul3A = arith.constant 2 : i32
    %mul3A_0 = arith.muli %arg1, %mul3A : i32
    %add3A = arith.addi %mul3A_0, %arg0 : i32
    %mul3A_1 = arith.constant 512 : i32
    %mul3A_2 = arith.muli %add3A, %mul3A_1 : i32
    "tpu.region"() ({
      %run_scoped3A = tpu.sem_alloc : memref<!tpu.dma_semaphore, #tpu.memory_space<semaphore_mem>>
      %dma_start3A = tpu.memref_slice %arg2[%mul3A_2] : memref<16384xi32, #tpu.memory_space<hbm>> -> memref<512xi32, #tpu.memory_space<hbm>>
      %dma_start3A_286 = tpu.memref_slice %arg2[%mul3A_2] : memref<16384xi32, #tpu.memory_space<hbm>> -> memref<512xi32, #tpu.memory_space<hbm>>
      tpu.enqueue_dma source(%dma_start3A_286 : memref<512xi32, #tpu.memory_space<hbm>>) target(%arg5 : memref<512xi32, #tpu.memory_space<vmem>>) target_semaphore(%run_scoped3A : memref<!tpu.dma_semaphore, #tpu.memory_space<semaphore_mem>>)
      %dma_wait3A_287 = tpu.memref_slice %arg2[%mul3A_2] : memref<16384xi32, #tpu.memory_space<hbm>> -> memref<512xi32, #tpu.memory_space<hbm>>
      %dma_wait3A_288 = tpu.memref_slice %arg2[%mul3A_2] : memref<16384xi32, #tpu.memory_space<hbm>> -> memref<512xi32, #tpu.memory_space<hbm>>
      tpu.wait_dma2 semaphore(%run_scoped3A : memref<!tpu.dma_semaphore, #tpu.memory_space<semaphore_mem>>) src(%dma_wait3A_288 : memref<512xi32, #tpu.memory_space<hbm>>) dst(%arg5 : memref<512xi32, #tpu.memory_space<vmem>>)
      tpu.yield
    }) : () -> ()
    %iota3A = tpu.iota {dimensions = array<i32: 0>} : vector<16xi32>
    %add3A_3 = arith.constant 16 : i32
    %add3A_4 = vector.broadcast %add3A_3 : i32 to vector<16xi32>
    %add3A_5 = arith.addi %iota3A, %add3A_4 : vector<16xi32>
    %scan3A = arith.constant 0 : i32
    %scan3A_6 = arith.constant 32 : i32
    %scan3A_7 = arith.addi %scan3A, %scan3A_6 : i32
    %scan3A_8 = arith.constant 1 : i32
    %scan3A_9 = scf.for %scan3A_286 = %scan3A to %scan3A_7 step %scan3A_8 iter_args(%scan3A_287 = %iota3A) -> (vector<16xi32>)  : i32 {
      %mul3A_288 = arith.constant 16 : i32
      %mul3A_289 = arith.muli %scan3A_286, %mul3A_288 : i32
      %get3A = arith.index_cast %mul3A_289 : i32 to index
      %get3A_290 = tpu.vector_load %arg5[%get3A] {strides = array<i32>} : memref<512xi32, #tpu.memory_space<vmem>>, vector<16xi32>,
      %shift_right_logical3A = arith.constant 7 : i32
      %shift_right_logical3A_291 = vector.broadcast %shift_right_logical3A : i32 to vector<16xi32>
      %shift_right_logical3A_292 = arith.shrui %get3A_290, %shift_right_logical3A_291 : vector<16xi32>
      %and3A = arith.constant 127 : i32
      %and3A_293 = vector.broadcast %and3A : i32 to vector<16xi32>
      %and3A_294 = arith.andi %get3A_290, %and3A_293 : vector<16xi32>
      %slice3A_295 = vector.extract_strided_slice %shift_right_logical3A_292 {offsets = [0], sizes = [1], strides = [1]} : vector<16xi32> to vector<1xi32>
      %squeeze3A_296 = vector.extract %slice3A_295[0] : i32 from vector<1xi32>
      %mul3A_297 = arith.constant 128 : i32
      %mul3A_298 = arith.muli %squeeze3A_296, %mul3A_297 : i32
      %dma_start3A = arith.constant 0 : i32
      %dma_start3A_299 = arith.constant 0 : i32
      %dma_start3A_300 = arith.constant 0 : i32
      %dma_start3A_301 = arith.constant 0 : i32
      %dma_start3A_302 = tpu.memref_slice %arg6[%dma_start3A, %dma_start3A_299, %dma_start3A_300, %dma_start3A_301] : memref<2x8x32x128xf32, #tpu.memory_space<vmem>> -> memref<1x1x32x128xf32, #tpu.memory_space<vmem>>
      %dma_start3A_303 = tpu.memref_squeeze %dma_start3A_302 : memref<1x1x32x128xf32, #tpu.memory_space<vmem>> -> memref<32x128xf32, #tpu.memory_space<vmem>>
      %dma_start3A_304 = arith.constant 0 : i32
      %dma_start3A_305 = tpu.memref_slice %arg3[%dma_start3A_304, %mul3A_298] : memref<32x1000000xf32, #tpu.memory_space<hbm>> -> memref<32x128xf32, #tpu.memory_space<hbm>>
      %dma_start3A_306 = arith.constant 0 : i32
      %dma_start3A_307 = arith.constant 0 : i32
      %dma_start3A_308 = tpu.memref_slice %arg6[%dma_start3A, %dma_start3A_299, %dma_start3A_306, %dma_start3A_307] : memref<2x8x32x128xf32, #tpu.memory_space<vmem>> -> memref<1x1x32x128xf32, #tpu.memory_space<vmem>>
      %dma_start3A_309 = tpu.memref_squeeze %dma_start3A_308 : memref<1x1x32x128xf32, #tpu.memory_space<vmem>> -> memref<32x128xf32, #tpu.memory_space<vmem>>
      %dma_start3A_310 = arith.constant 0 : i32
      %dma_start3A_311 = tpu.memref_slice %arg3[%dma_start3A_310, %mul3A_298] : memref<32x1000000xf32, #tpu.memory_space<hbm>> -> memref<32x128xf32, #tpu.memory_space<hbm>>
      tpu.enqueue_dma source(%dma_start3A_311 : memref<32x128xf32, #tpu.memory_space<hbm>>) target(%dma_start3A_309 : memref<32x128xf32, #tpu.memory_space<vmem>>) target_semaphore(%arg8 : memref<!tpu.dma_semaphore, #tpu.memory_space<semaphore_mem>>)
      %slice3A_312 = vector.extract_strided_slice %shift_right_logical3A_292 {offsets = [1], sizes = [1], strides = [1]} : vector<16xi32> to vector<1xi32>
      %squeeze3A_313 = vector.extract %slice3A_312[0] : i32 from vector<1xi32>
      %mul3A_314 = arith.constant 128 : i32
      %mul3A_315 = arith.muli %squeeze3A_313, %mul3A_314 : i32
      %dma_start3A_316 = arith.constant 0 : i32
      %dma_start3A_317 = arith.constant 1 : i32
      %dma_start3A_318 = arith.constant 0 : i32
      %dma_start3A_319 = arith.constant 0 : i32
      %dma_start3A_320 = tpu.memref_slice %arg6[%dma_start3A_316, %dma_start3A_317, %dma_start3A_318, %dma_start3A_319] : memref<2x8x32x128xf32, #tpu.memory_space<vmem>> -> memref<1x1x32x128xf32, #tpu.memory_space<vmem>>
      %dma_start3A_321 = tpu.memref_squeeze %dma_start3A_320 : memref<1x1x32x128xf32, #tpu.memory_space<vmem>> -> memref<32x128xf32, #tpu.memory_space<vmem>>
      %dma_start3A_322 = arith.constant 0 : i32
      %dma_start3A_323 = tpu.memref_slice %arg3[%dma_start3A_322, %mul3A_315] : memref<32x1000000xf32, #tpu.memory_space<hbm>> -> memref<32x128xf32, #tpu.memory_space<hbm>>
      %dma_start3A_324 = arith.constant 0 : i32
      %dma_start3A_325 = arith.constant 0 : i32
      %dma_start3A_326 = tpu.memref_slice %arg6[%dma_start3A_316, %dma_start3A_317, %dma_start3A_324, %dma_start3A_325] : memref<2x8x32x128xf32, #tpu.memory_space<vmem>> -> memref<1x1x32x128xf32, #tpu.memory_space<vmem>>
      %dma_start3A_327 = tpu.memref_squeeze %dma_start3A_326 : memref<1x1x32x128xf32, #tpu.memory_space<vmem>> -> memref<32x128xf32, #tpu.memory_space<vmem>>
      %dma_start3A_328 = arith.constant 0 : i32
      %dma_start3A_329 = tpu.memref_slice %arg3[%dma_start3A_328, %mul3A_315] : memref<32x1000000xf32, #tpu.memory_space<hbm>> -> memref<32x128xf32, #tpu.memory_space<hbm>>
      tpu.enqueue_dma source(%dma_start3A_329 : memref<32x128xf32, #tpu.memory_space<hbm>>) target(%dma_start3A_327 : memref<32x128xf32, #tpu.memory_space<vmem>>) target_semaphore(%arg8 : memref<!tpu.dma_semaphore, #tpu.memory_space<semaphore_mem>>)
      %slice3A_330 = vector.extract_strided_slice %shift_right_logical3A_292 {offsets = [2], sizes = [1], strides = [1]} : vector<16xi32> to vector<1xi32>
      %squeeze3A_331 = vector.extract %slice3A_330[0] : i32 from vector<1xi32>
      %mul3A_332 = arith.constant 128 : i32
      %mul3A_333 = arith.muli %squeeze3A_331, %mul3A_332 : i32
      %dma_start3A_334 = arith.constant 0 : i32
      %dma_start3A_335 = arith.constant 2 : i32
      %dma_start3A_336 = arith.constant 0 : i32
      %dma_start3A_337 = arith.constant 0 : i32
      %dma_start3A_338 = tpu.memref_slice %arg6[%dma_start3A_334, %dma_start3A_335, %dma_start3A_336, %dma_start3A_337] : memref<2x8x32x128xf32, #tpu.memory_space<vmem>> -> memref<1x1x32x128xf32, #tpu.memory_space<vmem>>
      %dma_start3A_339 = tpu.memref_squeeze %dma_start3A_338 : memref<1x1x32x128xf32, #tpu.memory_space<vmem>> -> memref<32x128xf32, #tpu.memory_space<vmem>>
      %dma_start3A_340 = arith.constant 0 : i32
      %dma_start3A_341 = tpu.memref_slice %arg3[%dma_start3A_340, %mul3A_333] : memref<32x1000000xf32, #tpu.memory_space<hbm>> -> memref<32x128xf32, #tpu.memory_space<hbm>>
      %dma_start3A_342 = arith.constant 0 : i32
      %dma_start3A_343 = arith.constant 0 : i32
      %dma_start3A_344 = tpu.memref_slice %arg6[%dma_start3A_334, %dma_start3A_335, %dma_start3A_342, %dma_start3A_343] : memref<2x8x32x128xf32, #tpu.memory_space<vmem>> -> memref<1x1x32x128xf32, #tpu.memory_space<vmem>>
      %dma_start3A_345 = tpu.memref_squeeze %dma_start3A_344 : memref<1x1x32x128xf32, #tpu.memory_space<vmem>> -> memref<32x128xf32, #tpu.memory_space<vmem>>
      %dma_start3A_346 = arith.constant 0 : i32
      %dma_start3A_347 = tpu.memref_slice %arg3[%dma_start3A_346, %mul3A_333] : memref<32x1000000xf32, #tpu.memory_space<hbm>> -> memref<32x128xf32, #tpu.memory_space<hbm>>
      tpu.enqueue_dma source(%dma_start3A_347 : memref<32x128xf32, #tpu.memory_space<hbm>>) target(%dma_start3A_345 : memref<32x128xf32, #tpu.memory_space<vmem>>) target_semaphore(%arg8 : memref<!tpu.dma_semaphore, #tpu.memory_space<semaphore_mem>>)
      %slice3A_348 = vector.extract_strided_slice %shift_right_logical3A_292 {offsets = [3], sizes = [1], strides = [1]} : vector<16xi32> to vector<1xi32>
      %squeeze3A_349 = vector.extract %slice3A_348[0] : i32 from vector<1xi32>
      %mul3A_350 = arith.constant 128 : i32
      %mul3A_351 = arith.muli %squeeze3A_349, %mul3A_350 : i32
      %dma_start3A_352 = arith.constant 0 : i32
      %dma_start3A_353 = arith.constant 3 : i32
      %dma_start3A_354 = arith.constant 0 : i32
      %dma_start3A_355 = arith.constant 0 : i32
      %dma_start3A_356 = tpu.memref_slice %arg6[%dma_start3A_352, %dma_start3A_353, %dma_start3A_354, %dma_start3A_355] : memref<2x8x32x128xf32, #tpu.memory_space<vmem>> -> memref<1x1x32x128xf32, #tpu.memory_space<vmem>>
      %dma_start3A_357 = tpu.memref_squeeze %dma_start3A_356 : memref<1x1x32x128xf32, #tpu.memory_space<vmem>> -> memref<32x128xf32, #tpu.memory_space<vmem>>
      %dma_start3A_358 = arith.constant 0 : i32
      %dma_start3A_359 = tpu.memref_slice %arg3[%dma_start3A_358, %mul3A_351] : memref<32x1000000xf32, #tpu.memory_space<hbm>> -> memref<32x128xf32, #tpu.memory_space<hbm>>
      %dma_start3A_360 = arith.constant 0 : i32
      %dma_start3A_361 = arith.constant 0 : i32
      %dma_start3A_362 = tpu.memref_slice %arg6[%dma_start3A_352, %dma_start3A_353, %dma_start3A_360, %dma_start3A_361] : memref<2x8x32x128xf32, #tpu.memory_space<vmem>> -> memref<1x1x32x128xf32, #tpu.memory_space<vmem>>
      %dma_start3A_363 = tpu.memref_squeeze %dma_start3A_362 : memref<1x1x32x128xf32, #tpu.memory_space<vmem>> -> memref<32x128xf32, #tpu.memory_space<vmem>>
      %dma_start3A_364 = arith.constant 0 : i32
      %dma_start3A_365 = tpu.memref_slice %arg3[%dma_start3A_364, %mul3A_351] : memref<32x1000000xf32, #tpu.memory_space<hbm>> -> memref<32x128xf32, #tpu.memory_space<hbm>>
      tpu.enqueue_dma source(%dma_start3A_365 : memref<32x128xf32, #tpu.memory_space<hbm>>) target(%dma_start3A_363 : memref<32x128xf32, #tpu.memory_space<vmem>>) target_semaphore(%arg8 : memref<!tpu.dma_semaphore, #tpu.memory_space<semaphore_mem>>)
      %slice3A_366 = vector.extract_strided_slice %shift_right_logical3A_292 {offsets = [4], sizes = [1], strides = [1]} : vector<16xi32> to vector<1xi32>
      %squeeze3A_367 = vector.extract %slice3A_366[0] : i32 from vector<1xi32>
      %mul3A_368 = arith.constant 128 : i32
      %mul3A_369 = arith.muli %squeeze3A_367, %mul3A_368 : i32
      %dma_start3A_370 = arith.constant 0 : i32
      %dma_start3A_371 = arith.constant 4 : i32
      %dma_start3A_372 = arith.constant 0 : i32
      %dma_start3A_373 = arith.constant 0 : i32
      %dma_start3A_374 = tpu.memref_slice %arg6[%dma_start3A_370, %dma_start3A_371, %dma_start3A_372, %dma_start3A_373] : memref<2x8x32x128xf32, #tpu.memory_space<vmem>> -> memref<1x1x32x128xf32, #tpu.memory_space<vmem>>
      %dma_start3A_375 = tpu.memref_squeeze %dma_start3A_374 : memref<1x1x32x128xf32, #tpu.memory_space<vmem>> -> memref<32x128xf32, #tpu.memory_space<vmem>>
      %dma_start3A_376 = arith.constant 0 : i32
      %dma_start3A_377 = tpu.memref_slice %arg3[%dma_start3A_376, %mul3A_369] : memref<32x1000000xf32, #tpu.memory_space<hbm>> -> memref<32x128xf32, #tpu.memory_space<hbm>>
      %dma_start3A_378 = arith.constant 0 : i32
      %dma_start3A_379 = arith.constant 0 : i32
      %dma_start3A_380 = tpu.memref_slice %arg6[%dma_start3A_370, %dma_start3A_371, %dma_start3A_378, %dma_start3A_379] : memref<2x8x32x128xf32, #tpu.memory_space<vmem>> -> memref<1x1x32x128xf32, #tpu.memory_space<vmem>>
      %dma_start3A_381 = tpu.memref_squeeze %dma_start3A_380 : memref<1x1x32x128xf32, #tpu.memory_space<vmem>> -> memref<32x128xf32, #tpu.memory_space<vmem>>
      %dma_start3A_382 = arith.constant 0 : i32
      %dma_start3A_383 = tpu.memref_slice %arg3[%dma_start3A_382, %mul3A_369] : memref<32x1000000xf32, #tpu.memory_space<hbm>> -> memref<32x128xf32, #tpu.memory_space<hbm>>
      tpu.enqueue_dma source(%dma_start3A_383 : memref<32x128xf32, #tpu.memory_space<hbm>>) target(%dma_start3A_381 : memref<32x128xf32, #tpu.memory_space<vmem>>) target_semaphore(%arg8 : memref<!tpu.dma_semaphore, #tpu.memory_space<semaphore_mem>>)
      %slice3A_384 = vector.extract_strided_slice %shift_right_logical3A_292 {offsets = [5], sizes = [1], strides = [1]} : vector<16xi32> to vector<1xi32>
      %squeeze3A_385 = vector.extract %slice3A_384[0] : i32 from vector<1xi32>
      %mul3A_386 = arith.constant 128 : i32
      %mul3A_387 = arith.muli %squeeze3A_385, %mul3A_386 : i32
      %dma_start3A_388 = arith.constant 0 : i32
      %dma_start3A_389 = arith.constant 5 : i32
      %dma_start3A_390 = arith.constant 0 : i32
      %dma_start3A_391 = arith.constant 0 : i32
      %dma_start3A_392 = tpu.memref_slice %arg6[%dma_start3A_388, %dma_start3A_389, %dma_start3A_390, %dma_start3A_391] : memref<2x8x32x128xf32, #tpu.memory_space<vmem>> -> memref<1x1x32x128xf32, #tpu.memory_space<vmem>>
      %dma_start3A_393 = tpu.memref_squeeze %dma_start3A_392 : memref<1x1x32x128xf32, #tpu.memory_space<vmem>> -> memref<32x128xf32, #tpu.memory_space<vmem>>
      %dma_start3A_394 = arith.constant 0 : i32
      %dma_start3A_395 = tpu.memref_slice %arg3[%dma_start3A_394, %mul3A_387] : memref<32x1000000xf32, #tpu.memory_space<hbm>> -> memref<32x128xf32, #tpu.memory_space<hbm>>
      %dma_start3A_396 = arith.constant 0 : i32
      %dma_start3A_397 = arith.constant 0 : i32
      %dma_start3A_398 = tpu.memref_slice %arg6[%dma_start3A_388, %dma_start3A_389, %dma_start3A_396, %dma_start3A_397] : memref<2x8x32x128xf32, #tpu.memory_space<vmem>> -> memref<1x1x32x128xf32, #tpu.memory_space<vmem>>
      %dma_start3A_399 = tpu.memref_squeeze %dma_start3A_398 : memref<1x1x32x128xf32, #tpu.memory_space<vmem>> -> memref<32x128xf32, #tpu.memory_space<vmem>>
      %dma_start3A_400 = arith.constant 0 : i32
      %dma_start3A_401 = tpu.memref_slice %arg3[%dma_start3A_400, %mul3A_387] : memref<32x1000000xf32, #tpu.memory_space<hbm>> -> memref<32x128xf32, #tpu.memory_space<hbm>>
      tpu.enqueue_dma source(%dma_start3A_401 : memref<32x128xf32, #tpu.memory_space<hbm>>) target(%dma_start3A_399 : memref<32x128xf32, #tpu.memory_space<vmem>>) target_semaphore(%arg8 : memref<!tpu.dma_semaphore, #tpu.memory_space<semaphore_mem>>)
      %slice3A_402 = vector.extract_strided_slice %shift_right_logical3A_292 {offsets = [6], sizes = [1], strides = [1]} : vector<16xi32> to vector<1xi32>
      %squeeze3A_403 = vector.extract %slice3A_402[0] : i32 from vector<1xi32>
      %mul3A_404 = arith.constant 128 : i32
      %mul3A_405 = arith.muli %squeeze3A_403, %mul3A_404 : i32
      %dma_start3A_406 = arith.constant 0 : i32
      %dma_start3A_407 = arith.constant 6 : i32
      %dma_start3A_408 = arith.constant 0 : i32
      %dma_start3A_409 = arith.constant 0 : i32
      %dma_start3A_410 = tpu.memref_slice %arg6[%dma_start3A_406, %dma_start3A_407, %dma_start3A_408, %dma_start3A_409] : memref<2x8x32x128xf32, #tpu.memory_space<vmem>> -> memref<1x1x32x128xf32, #tpu.memory_space<vmem>>
      %dma_start3A_411 = tpu.memref_squeeze %dma_start3A_410 : memref<1x1x32x128xf32, #tpu.memory_space<vmem>> -> memref<32x128xf32, #tpu.memory_space<vmem>>
      %dma_start3A_412 = arith.constant 0 : i32
      %dma_start3A_413 = tpu.memref_slice %arg3[%dma_start3A_412, %mul3A_405] : memref<32x1000000xf32, #tpu.memory_space<hbm>> -> memref<32x128xf32, #tpu.memory_space<hbm>>
      %dma_start3A_414 = arith.constant 0 : i32
      %dma_start3A_415 = arith.constant 0 : i32
      %dma_start3A_416 = tpu.memref_slice %arg6[%dma_start3A_406, %dma_start3A_407, %dma_start3A_414, %dma_start3A_415] : memref<2x8x32x128xf32, #tpu.memory_space<vmem>> -> memref<1x1x32x128xf32, #tpu.memory_space<vmem>>
      %dma_start3A_417 = tpu.memref_squeeze %dma_start3A_416 : memref<1x1x32x128xf32, #tpu.memory_space<vmem>> -> memref<32x128xf32, #tpu.memory_space<vmem>>
      %dma_start3A_418 = arith.constant 0 : i32
      %dma_start3A_419 = tpu.memref_slice %arg3[%dma_start3A_418, %mul3A_405] : memref<32x1000000xf32, #tpu.memory_space<hbm>> -> memref<32x128xf32, #tpu.memory_space<hbm>>
      tpu.enqueue_dma source(%dma_start3A_419 : memref<32x128xf32, #tpu.memory_space<hbm>>) target(%dma_start3A_417 : memref<32x128xf32, #tpu.memory_space<vmem>>) target_semaphore(%arg8 : memref<!tpu.dma_semaphore, #tpu.memory_space<semaphore_mem>>)
      %slice3A_420 = vector.extract_strided_slice %shift_right_logical3A_292 {offsets = [7], sizes = [1], strides = [1]} : vector<16xi32> to vector<1xi32>
      %squeeze3A_421 = vector.extract %slice3A_420[0] : i32 from vector<1xi32>
      %mul3A_422 = arith.constant 128 : i32
      %mul3A_423 = arith.muli %squeeze3A_421, %mul3A_422 : i32
      %dma_start3A_424 = arith.constant 0 : i32
      %dma_start3A_425 = arith.constant 7 : i32
      %dma_start3A_426 = arith.constant 0 : i32
      %dma_start3A_427 = arith.constant 0 : i32
      %dma_start3A_428 = tpu.memref_slice %arg6[%dma_start3A_424, %dma_start3A_425, %dma_start3A_426, %dma_start3A_427] : memref<2x8x32x128xf32, #tpu.memory_space<vmem>> -> memref<1x1x32x128xf32, #tpu.memory_space<vmem>>
      %dma_start3A_429 = tpu.memref_squeeze %dma_start3A_428 : memref<1x1x32x128xf32, #tpu.memory_space<vmem>> -> memref<32x128xf32, #tpu.memory_space<vmem>>
      %dma_start3A_430 = arith.constant 0 : i32
      %dma_start3A_431 = tpu.memref_slice %arg3[%dma_start3A_430, %mul3A_423] : memref<32x1000000xf32, #tpu.memory_space<hbm>> -> memref<32x128xf32, #tpu.memory_space<hbm>>
      %dma_start3A_432 = arith.constant 0 : i32
      %dma_start3A_433 = arith.constant 0 : i32
      %dma_start3A_434 = tpu.memref_slice %arg6[%dma_start3A_424, %dma_start3A_425, %dma_start3A_432, %dma_start3A_433] : memref<2x8x32x128xf32, #tpu.memory_space<vmem>> -> memref<1x1x32x128xf32, #tpu.memory_space<vmem>>
      %dma_start3A_435 = tpu.memref_squeeze %dma_start3A_434 : memref<1x1x32x128xf32, #tpu.memory_space<vmem>> -> memref<32x128xf32, #tpu.memory_space<vmem>>
      %dma_start3A_436 = arith.constant 0 : i32
      %dma_start3A_437 = tpu.memref_slice %arg3[%dma_start3A_436, %mul3A_423] : memref<32x1000000xf32, #tpu.memory_space<hbm>> -> memref<32x128xf32, #tpu.memory_space<hbm>>
      tpu.enqueue_dma source(%dma_start3A_437 : memref<32x128xf32, #tpu.memory_space<hbm>>) target(%dma_start3A_435 : memref<32x128xf32, #tpu.memory_space<vmem>>) target_semaphore(%arg8 : memref<!tpu.dma_semaphore, #tpu.memory_space<semaphore_mem>>)
      %gt3A = arith.constant 0 : i32
      %gt3A_438 = arith.cmpi sgt, %scan3A_286, %gt3A : i32
      %convert_element_type3A = arith.extui %gt3A_438 : i1 to i32
      %cond3A = arith.constant 0 : i32
      %cond3A_439 = arith.cmpi ne, %convert_element_type3A, %cond3A : i32
      scf.if %cond3A_439 {
        %mul3A_876 = arith.constant 2 : i32
        %mul3A_877 = arith.muli %mul3A_876, %scan3A_286 : i32
        %sub3A = arith.constant 1 : i32
        %sub3A_878 = arith.subi %mul3A_877, %sub3A : i32
        %mul3A_879 = arith.constant 8 : i32
        %mul3A_880 = arith.muli %sub3A_878, %mul3A_879 : i32
        %dma_wait3A_881 = arith.constant 1 : i32
        %dma_wait3A_882 = arith.constant 0 : i32
        %dma_wait3A_883 = arith.constant 0 : i32
        %dma_wait3A_884 = arith.constant 0 : i32
        %dma_wait3A_885 = tpu.memref_slice %arg6[%dma_wait3A_881, %dma_wait3A_882, %dma_wait3A_883, %dma_wait3A_884] : memref<2x8x32x128xf32, #tpu.memory_space<vmem>> -> memref<1x1x32x128xf32, #tpu.memory_space<vmem>>
        %dma_wait3A_886 = tpu.memref_squeeze %dma_wait3A_885 : memref<1x1x32x128xf32, #tpu.memory_space<vmem>> -> memref<32x128xf32, #tpu.memory_space<vmem>>
        %dma_wait3A_887 = arith.constant 0 : i32
        %dma_wait3A_888 = arith.constant 0 : i32
        %dma_wait3A_889 = tpu.memref_slice %arg3[%dma_wait3A_887, %dma_wait3A_888] : memref<32x1000000xf32, #tpu.memory_space<hbm>> -> memref<32x128xf32, #tpu.memory_space<hbm>>
        %dma_wait3A_890 = arith.constant 0 : i32
        %dma_wait3A_891 = arith.constant 0 : i32
        %dma_wait3A_892 = tpu.memref_slice %arg6[%dma_wait3A_881, %dma_wait3A_882, %dma_wait3A_890, %dma_wait3A_891] : memref<2x8x32x128xf32, #tpu.memory_space<vmem>> -> memref<1x1x32x128xf32, #tpu.memory_space<vmem>>
        %dma_wait3A_893 = tpu.memref_squeeze %dma_wait3A_892 : memref<1x1x32x128xf32, #tpu.memory_space<vmem>> -> memref<32x128xf32, #tpu.memory_space<vmem>>
        %dma_wait3A_894 = arith.constant 0 : i32
        %dma_wait3A_895 = arith.constant 0 : i32
        %dma_wait3A_896 = tpu.memref_slice %arg3[%dma_wait3A_894, %dma_wait3A_895] : memref<32x1000000xf32, #tpu.memory_space<hbm>> -> memref<32x128xf32, #tpu.memory_space<hbm>>
        tpu.wait_dma2 semaphore(%arg9 : memref<!tpu.dma_semaphore, #tpu.memory_space<semaphore_mem>>) src(%dma_wait3A_896 : memref<32x128xf32, #tpu.memory_space<hbm>>) dst(%dma_wait3A_893 : memref<32x128xf32, #tpu.memory_space<vmem>>)
        %dma_wait3A_897 = arith.constant 1 : i32
        %dma_wait3A_898 = arith.constant 1 : i32
        %dma_wait3A_899 = arith.constant 0 : i32
        %dma_wait3A_900 = arith.constant 0 : i32
        %dma_wait3A_901 = tpu.memref_slice %arg6[%dma_wait3A_897, %dma_wait3A_898, %dma_wait3A_899, %dma_wait3A_900] : memref<2x8x32x128xf32, #tpu.memory_space<vmem>> -> memref<1x1x32x128xf32, #tpu.memory_space<vmem>>
        %dma_wait3A_902 = tpu.memref_squeeze %dma_wait3A_901 : memref<1x1x32x128xf32, #tpu.memory_space<vmem>> -> memref<32x128xf32, #tpu.memory_space<vmem>>
        %dma_wait3A_903 = arith.constant 0 : i32
        %dma_wait3A_904 = arith.constant 0 : i32
        %dma_wait3A_905 = tpu.memref_slice %arg3[%dma_wait3A_903, %dma_wait3A_904] : memref<32x1000000xf32, #tpu.memory_space<hbm>> -> memref<32x128xf32, #tpu.memory_space<hbm>>
        %dma_wait3A_906 = arith.constant 0 : i32
        %dma_wait3A_907 = arith.constant 0 : i32
        %dma_wait3A_908 = tpu.memref_slice %arg6[%dma_wait3A_897, %dma_wait3A_898, %dma_wait3A_906, %dma_wait3A_907] : memref<2x8x32x128xf32, #tpu.memory_space<vmem>> -> memref<1x1x32x128xf32, #tpu.memory_space<vmem>>
        %dma_wait3A_909 = tpu.memref_squeeze %dma_wait3A_908 : memref<1x1x32x128xf32, #tpu.memory_space<vmem>> -> memref<32x128xf32, #tpu.memory_space<vmem>>
        %dma_wait3A_910 = arith.constant 0 : i32
        %dma_wait3A_911 = arith.constant 0 : i32
        %dma_wait3A_912 = tpu.memref_slice %arg3[%dma_wait3A_910, %dma_wait3A_911] : memref<32x1000000xf32, #tpu.memory_space<hbm>> -> memref<32x128xf32, #tpu.memory_space<hbm>>
        tpu.wait_dma2 semaphore(%arg9 : memref<!tpu.dma_semaphore, #tpu.memory_space<semaphore_mem>>) src(%dma_wait3A_912 : memref<32x128xf32, #tpu.memory_space<hbm>>) dst(%dma_wait3A_909 : memref<32x128xf32, #tpu.memory_space<vmem>>)
        %dma_wait3A_913 = arith.constant 1 : i32
        %dma_wait3A_914 = arith.constant 2 : i32
        %dma_wait3A_915 = arith.constant 0 : i32
        %dma_wait3A_916 = arith.constant 0 : i32
        %dma_wait3A_917 = tpu.memref_slice %arg6[%dma_wait3A_913, %dma_wait3A_914, %dma_wait3A_915, %dma_wait3A_916] : memref<2x8x32x128xf32, #tpu.memory_space<vmem>> -> memref<1x1x32x128xf32, #tpu.memory_space<vmem>>
        %dma_wait3A_918 = tpu.memref_squeeze %dma_wait3A_917 : memref<1x1x32x128xf32, #tpu.memory_space<vmem>> -> memref<32x128xf32, #tpu.memory_space<vmem>>
        %dma_wait3A_919 = arith.constant 0 : i32
        %dma_wait3A_920 = arith.constant 0 : i32
        %dma_wait3A_921 = tpu.memref_slice %arg3[%dma_wait3A_919, %dma_wait3A_920] : memref<32x1000000xf32, #tpu.memory_space<hbm>> -> memref<32x128xf32, #tpu.memory_space<hbm>>
        %dma_wait3A_922 = arith.constant 0 : i32
        %dma_wait3A_923 = arith.constant 0 : i32
        %dma_wait3A_924 = tpu.memref_slice %arg6[%dma_wait3A_913, %dma_wait3A_914, %dma_wait3A_922, %dma_wait3A_923] : memref<2x8x32x128xf32, #tpu.memory_space<vmem>> -> memref<1x1x32x128xf32, #tpu.memory_space<vmem>>
        %dma_wait3A_925 = tpu.memref_squeeze %dma_wait3A_924 : memref<1x1x32x128xf32, #tpu.memory_space<vmem>> -> memref<32x128xf32, #tpu.memory_space<vmem>>
        %dma_wait3A_926 = arith.constant 0 : i32
        %dma_wait3A_927 = arith.constant 0 : i32
        %dma_wait3A_928 = tpu.memref_slice %arg3[%dma_wait3A_926, %dma_wait3A_927] : memref<32x1000000xf32, #tpu.memory_space<hbm>> -> memref<32x128xf32, #tpu.memory_space<hbm>>
        tpu.wait_dma2 semaphore(%arg9 : memref<!tpu.dma_semaphore, #tpu.memory_space<semaphore_mem>>) src(%dma_wait3A_928 : memref<32x128xf32, #tpu.memory_space<hbm>>) dst(%dma_wait3A_925 : memref<32x128xf32, #tpu.memory_space<vmem>>)
        %dma_wait3A_929 = arith.constant 1 : i32
        %dma_wait3A_930 = arith.constant 3 : i32
        %dma_wait3A_931 = arith.constant 0 : i32
        %dma_wait3A_932 = arith.constant 0 : i32
        %dma_wait3A_933 = tpu.memref_slice %arg6[%dma_wait3A_929, %dma_wait3A_930, %dma_wait3A_931, %dma_wait3A_932] : memref<2x8x32x128xf32, #tpu.memory_space<vmem>> -> memref<1x1x32x128xf32, #tpu.memory_space<vmem>>
        %dma_wait3A_934 = tpu.memref_squeeze %dma_wait3A_933 : memref<1x1x32x128xf32, #tpu.memory_space<vmem>> -> memref<32x128xf32, #tpu.memory_space<vmem>>
        %dma_wait3A_935 = arith.constant 0 : i32
        %dma_wait3A_936 = arith.constant 0 : i32
        %dma_wait3A_937 = tpu.memref_slice %arg3[%dma_wait3A_935, %dma_wait3A_936] : memref<32x1000000xf32, #tpu.memory_space<hbm>> -> memref<32x128xf32, #tpu.memory_space<hbm>>
        %dma_wait3A_938 = arith.constant 0 : i32
        %dma_wait3A_939 = arith.constant 0 : i32
        %dma_wait3A_940 = tpu.memref_slice %arg6[%dma_wait3A_929, %dma_wait3A_930, %dma_wait3A_938, %dma_wait3A_939] : memref<2x8x32x128xf32, #tpu.memory_space<vmem>> -> memref<1x1x32x128xf32, #tpu.memory_space<vmem>>
        %dma_wait3A_941 = tpu.memref_squeeze %dma_wait3A_940 : memref<1x1x32x128xf32, #tpu.memory_space<vmem>> -> memref<32x128xf32, #tpu.memory_space<vmem>>
        %dma_wait3A_942 = arith.constant 0 : i32
        %dma_wait3A_943 = arith.constant 0 : i32
        %dma_wait3A_944 = tpu.memref_slice %arg3[%dma_wait3A_942, %dma_wait3A_943] : memref<32x1000000xf32, #tpu.memory_space<hbm>> -> memref<32x128xf32, #tpu.memory_space<hbm>>
        tpu.wait_dma2 semaphore(%arg9 : memref<!tpu.dma_semaphore, #tpu.memory_space<semaphore_mem>>) src(%dma_wait3A_944 : memref<32x128xf32, #tpu.memory_space<hbm>>) dst(%dma_wait3A_941 : memref<32x128xf32, #tpu.memory_space<vmem>>)
        %dma_wait3A_945 = arith.constant 1 : i32
        %dma_wait3A_946 = arith.constant 4 : i32
        %dma_wait3A_947 = arith.constant 0 : i32
        %dma_wait3A_948 = arith.constant 0 : i32
        %dma_wait3A_949 = tpu.memref_slice %arg6[%dma_wait3A_945, %dma_wait3A_946, %dma_wait3A_947, %dma_wait3A_948] : memref<2x8x32x128xf32, #tpu.memory_space<vmem>> -> memref<1x1x32x128xf32, #tpu.memory_space<vmem>>
        %dma_wait3A_950 = tpu.memref_squeeze %dma_wait3A_949 : memref<1x1x32x128xf32, #tpu.memory_space<vmem>> -> memref<32x128xf32, #tpu.memory_space<vmem>>
        %dma_wait3A_951 = arith.constant 0 : i32
        %dma_wait3A_952 = arith.constant 0 : i32
        %dma_wait3A_953 = tpu.memref_slice %arg3[%dma_wait3A_951, %dma_wait3A_952] : memref<32x1000000xf32, #tpu.memory_space<hbm>> -> memref<32x128xf32, #tpu.memory_space<hbm>>
        %dma_wait3A_954 = arith.constant 0 : i32
        %dma_wait3A_955 = arith.constant 0 : i32
        %dma_wait3A_956 = tpu.memref_slice %arg6[%dma_wait3A_945, %dma_wait3A_946, %dma_wait3A_954, %dma_wait3A_955] : memref<2x8x32x128xf32, #tpu.memory_space<vmem>> -> memref<1x1x32x128xf32, #tpu.memory_space<vmem>>
        %dma_wait3A_957 = tpu.memref_squeeze %dma_wait3A_956 : memref<1x1x32x128xf32, #tpu.memory_space<vmem>> -> memref<32x128xf32, #tpu.memory_space<vmem>>
        %dma_wait3A_958 = arith.constant 0 : i32
        %dma_wait3A_959 = arith.constant 0 : i32
        %dma_wait3A_960 = tpu.memref_slice %arg3[%dma_wait3A_958, %dma_wait3A_959] : memref<32x1000000xf32, #tpu.memory_space<hbm>> -> memref<32x128xf32, #tpu.memory_space<hbm>>
        tpu.wait_dma2 semaphore(%arg9 : memref<!tpu.dma_semaphore, #tpu.memory_space<semaphore_mem>>) src(%dma_wait3A_960 : memref<32x128xf32, #tpu.memory_space<hbm>>) dst(%dma_wait3A_957 : memref<32x128xf32, #tpu.memory_space<vmem>>)
        %dma_wait3A_961 = arith.constant 1 : i32
        %dma_wait3A_962 = arith.constant 5 : i32
        %dma_wait3A_963 = arith.constant 0 : i32
        %dma_wait3A_964 = arith.constant 0 : i32
        %dma_wait3A_965 = tpu.memref_slice %arg6[%dma_wait3A_961, %dma_wait3A_962, %dma_wait3A_963, %dma_wait3A_964] : memref<2x8x32x128xf32, #tpu.memory_space<vmem>> -> memref<1x1x32x128xf32, #tpu.memory_space<vmem>>
        %dma_wait3A_966 = tpu.memref_squeeze %dma_wait3A_965 : memref<1x1x32x128xf32, #tpu.memory_space<vmem>> -> memref<32x128xf32, #tpu.memory_space<vmem>>
        %dma_wait3A_967 = arith.constant 0 : i32
        %dma_wait3A_968 = arith.constant 0 : i32
        %dma_wait3A_969 = tpu.memref_slice %arg3[%dma_wait3A_967, %dma_wait3A_968] : memref<32x1000000xf32, #tpu.memory_space<hbm>> -> memref<32x128xf32, #tpu.memory_space<hbm>>
        %dma_wait3A_970 = arith.constant 0 : i32
        %dma_wait3A_971 = arith.constant 0 : i32
        %dma_wait3A_972 = tpu.memref_slice %arg6[%dma_wait3A_961, %dma_wait3A_962, %dma_wait3A_970, %dma_wait3A_971] : memref<2x8x32x128xf32, #tpu.memory_space<vmem>> -> memref<1x1x32x128xf32, #tpu.memory_space<vmem>>
        %dma_wait3A_973 = tpu.memref_squeeze %dma_wait3A_972 : memref<1x1x32x128xf32, #tpu.memory_space<vmem>> -> memref<32x128xf32, #tpu.memory_space<vmem>>
        %dma_wait3A_974 = arith.constant 0 : i32
        %dma_wait3A_975 = arith.constant 0 : i32
        %dma_wait3A_976 = tpu.memref_slice %arg3[%dma_wait3A_974, %dma_wait3A_975] : memref<32x1000000xf32, #tpu.memory_space<hbm>> -> memref<32x128xf32, #tpu.memory_space<hbm>>
        tpu.wait_dma2 semaphore(%arg9 : memref<!tpu.dma_semaphore, #tpu.memory_space<semaphore_mem>>) src(%dma_wait3A_976 : memref<32x128xf32, #tpu.memory_space<hbm>>) dst(%dma_wait3A_973 : memref<32x128xf32, #tpu.memory_space<vmem>>)
        %dma_wait3A_977 = arith.constant 1 : i32
        %dma_wait3A_978 = arith.constant 6 : i32
        %dma_wait3A_979 = arith.constant 0 : i32
        %dma_wait3A_980 = arith.constant 0 : i32
        %dma_wait3A_981 = tpu.memref_slice %arg6[%dma_wait3A_977, %dma_wait3A_978, %dma_wait3A_979, %dma_wait3A_980] : memref<2x8x32x128xf32, #tpu.memory_space<vmem>> -> memref<1x1x32x128xf32, #tpu.memory_space<vmem>>
        %dma_wait3A_982 = tpu.memref_squeeze %dma_wait3A_981 : memref<1x1x32x128xf32, #tpu.memory_space<vmem>> -> memref<32x128xf32, #tpu.memory_space<vmem>>
        %dma_wait3A_983 = arith.constant 0 : i32
        %dma_wait3A_984 = arith.constant 0 : i32
        %dma_wait3A_985 = tpu.memref_slice %arg3[%dma_wait3A_983, %dma_wait3A_984] : memref<32x1000000xf32, #tpu.memory_space<hbm>> -> memref<32x128xf32, #tpu.memory_space<hbm>>
        %dma_wait3A_986 = arith.constant 0 : i32
        %dma_wait3A_987 = arith.constant 0 : i32
        %dma_wait3A_988 = tpu.memref_slice %arg6[%dma_wait3A_977, %dma_wait3A_978, %dma_wait3A_986, %dma_wait3A_987] : memref<2x8x32x128xf32, #tpu.memory_space<vmem>> -> memref<1x1x32x128xf32, #tpu.memory_space<vmem>>
        %dma_wait3A_989 = tpu.memref_squeeze %dma_wait3A_988 : memref<1x1x32x128xf32, #tpu.memory_space<vmem>> -> memref<32x128xf32, #tpu.memory_space<vmem>>
        %dma_wait3A_990 = arith.constant 0 : i32
        %dma_wait3A_991 = arith.constant 0 : i32
        %dma_wait3A_992 = tpu.memref_slice %arg3[%dma_wait3A_990, %dma_wait3A_991] : memref<32x1000000xf32, #tpu.memory_space<hbm>> -> memref<32x128xf32, #tpu.memory_space<hbm>>
        tpu.wait_dma2 semaphore(%arg9 : memref<!tpu.dma_semaphore, #tpu.memory_space<semaphore_mem>>) src(%dma_wait3A_992 : memref<32x128xf32, #tpu.memory_space<hbm>>) dst(%dma_wait3A_989 : memref<32x128xf32, #tpu.memory_space<vmem>>)
        %dma_wait3A_993 = arith.constant 1 : i32
        %dma_wait3A_994 = arith.constant 7 : i32
        %dma_wait3A_995 = arith.constant 0 : i32
        %dma_wait3A_996 = arith.constant 0 : i32
        %dma_wait3A_997 = tpu.memref_slice %arg6[%dma_wait3A_993, %dma_wait3A_994, %dma_wait3A_995, %dma_wait3A_996] : memref<2x8x32x128xf32, #tpu.memory_space<vmem>> -> memref<1x1x32x128xf32, #tpu.memory_space<vmem>>
        %dma_wait3A_998 = tpu.memref_squeeze %dma_wait3A_997 : memref<1x1x32x128xf32, #tpu.memory_space<vmem>> -> memref<32x128xf32, #tpu.memory_space<vmem>>
        %dma_wait3A_999 = arith.constant 0 : i32
        %dma_wait3A_1000 = arith.constant 0 : i32
        %dma_wait3A_1001 = tpu.memref_slice %arg3[%dma_wait3A_999, %dma_wait3A_1000] : memref<32x1000000xf32, #tpu.memory_space<hbm>> -> memref<32x128xf32, #tpu.memory_space<hbm>>
        %dma_wait3A_1002 = arith.constant 0 : i32
        %dma_wait3A_1003 = arith.constant 0 : i32
        %dma_wait3A_1004 = tpu.memref_slice %arg6[%dma_wait3A_993, %dma_wait3A_994, %dma_wait3A_1002, %dma_wait3A_1003] : memref<2x8x32x128xf32, #tpu.memory_space<vmem>> -> memref<1x1x32x128xf32, #tpu.memory_space<vmem>>
        %dma_wait3A_1005 = tpu.memref_squeeze %dma_wait3A_1004 : memref<1x1x32x128xf32, #tpu.memory_space<vmem>> -> memref<32x128xf32, #tpu.memory_space<vmem>>
        %dma_wait3A_1006 = arith.constant 0 : i32
        %dma_wait3A_1007 = arith.constant 0 : i32
        %dma_wait3A_1008 = tpu.memref_slice %arg3[%dma_wait3A_1006, %dma_wait3A_1007] : memref<32x1000000xf32, #tpu.memory_space<hbm>> -> memref<32x128xf32, #tpu.memory_space<hbm>>
        tpu.wait_dma2 semaphore(%arg9 : memref<!tpu.dma_semaphore, #tpu.memory_space<semaphore_mem>>) src(%dma_wait3A_1008 : memref<32x128xf32, #tpu.memory_space<hbm>>) dst(%dma_wait3A_1005 : memref<32x128xf32, #tpu.memory_space<vmem>>)
        %slice3A_1009 = vector.extract_strided_slice %scan3A_287 {offsets = [8], sizes = [1], strides = [1]} : vector<16xi32> to vector<1xi32>
        %squeeze3A_1010 = vector.extract %slice3A_1009[0] : i32 from vector<1xi32>
        %broadcast_in_dim3A_1011 = vector.broadcast %squeeze3A_1010 : i32 to vector<16xi32>
        %gather3A_1012 = arith.constant 1 : i32
        %gather3A_1013 = arith.constant 0 : i32
        %gather3A_1014 = arith.constant 0 : i32
        %gather3A_1015 = arith.constant 0 : i32
        %gather3A_1016 = tpu.memref_slice %arg6[%gather3A_1012, %gather3A_1013, %gather3A_1014, %gather3A_1015] : memref<2x8x32x128xf32, #tpu.memory_space<vmem>> -> memref<1x1x32x128xf32, #tpu.memory_space<vmem>>
        %gather3A_1017 = tpu.memref_squeeze %gather3A_1016 : memref<1x1x32x128xf32, #tpu.memory_space<vmem>> -> memref<32x128xf32, #tpu.memory_space<vmem>>
        %gather3A_1018 = tpu.vector_load_idx %gather3A_1017[%iota3A, %broadcast_in_dim3A_1011] : memref<32x128xf32, #tpu.memory_space<vmem>>[vector<16xi32>, vector<16xi32>], vector<16xf32>,
        %gather3A_1019 = arith.constant 1 : i32
        %gather3A_1020 = arith.constant 0 : i32
        %gather3A_1021 = arith.constant 0 : i32
        %gather3A_1022 = arith.constant 0 : i32
        %gather3A_1023 = tpu.memref_slice %arg6[%gather3A_1019, %gather3A_1020, %gather3A_1021, %gather3A_1022] : memref<2x8x32x128xf32, #tpu.memory_space<vmem>> -> memref<1x1x32x128xf32, #tpu.memory_space<vmem>>
        %gather3A_1024 = tpu.memref_squeeze %gather3A_1023 : memref<1x1x32x128xf32, #tpu.memory_space<vmem>> -> memref<32x128xf32, #tpu.memory_space<vmem>>
        %gather3A_1025 = tpu.vector_load_idx %gather3A_1024[%add3A_5, %broadcast_in_dim3A_1011] : memref<32x128xf32, #tpu.memory_space<vmem>>[vector<16xi32>, vector<16xi32>], vector<16xf32>,
        %add3A_1026 = arith.constant 0 : i32
        %add3A_1027 = arith.addi %mul3A_880, %add3A_1026 : i32
        %broadcast_in_dim3A_1028 = vector.broadcast %add3A_1027 : i32 to vector<16xi32>
        tpu.vector_store_idx %arg7[%iota3A, %broadcast_in_dim3A_1028], %gather3A_1018 : memref<32x512xf32, #tpu.memory_space<vmem>>[vector<16xi32>, vector<16xi32>], vector<16xf32>,
        tpu.vector_store_idx %arg7[%add3A_5, %broadcast_in_dim3A_1028], %gather3A_1025 : memref<32x512xf32, #tpu.memory_space<vmem>>[vector<16xi32>, vector<16xi32>], vector<16xf32>,
        %slice3A_1029 = vector.extract_strided_slice %scan3A_287 {offsets = [9], sizes = [1], strides = [1]} : vector<16xi32> to vector<1xi32>
        %squeeze3A_1030 = vector.extract %slice3A_1029[0] : i32 from vector<1xi32>
        %broadcast_in_dim3A_1031 = vector.broadcast %squeeze3A_1030 : i32 to vector<16xi32>
        %gather3A_1032 = arith.constant 1 : i32
        %gather3A_1033 = arith.constant 1 : i32
        %gather3A_1034 = arith.constant 0 : i32
        %gather3A_1035 = arith.constant 0 : i32
        %gather3A_1036 = tpu.memref_slice %arg6[%gather3A_1032, %gather3A_1033, %gather3A_1034, %gather3A_1035] : memref<2x8x32x128xf32, #tpu.memory_space<vmem>> -> memref<1x1x32x128xf32, #tpu.memory_space<vmem>>
        %gather3A_1037 = tpu.memref_squeeze %gather3A_1036 : memref<1x1x32x128xf32, #tpu.memory_space<vmem>> -> memref<32x128xf32, #tpu.memory_space<vmem>>
        %gather3A_1038 = tpu.vector_load_idx %gather3A_1037[%iota3A, %broadcast_in_dim3A_1031] : memref<32x128xf32, #tpu.memory_space<vmem>>[vector<16xi32>, vector<16xi32>], vector<16xf32>,
        %gather3A_1039 = arith.constant 1 : i32
        %gather3A_1040 = arith.constant 1 : i32
        %gather3A_1041 = arith.constant 0 : i32
        %gather3A_1042 = arith.constant 0 : i32
        %gather3A_1043 = tpu.memref_slice %arg6[%gather3A_1039, %gather3A_1040, %gather3A_1041, %gather3A_1042] : memref<2x8x32x128xf32, #tpu.memory_space<vmem>> -> memref<1x1x32x128xf32, #tpu.memory_space<vmem>>
        %gather3A_1044 = tpu.memref_squeeze %gather3A_1043 : memref<1x1x32x128xf32, #tpu.memory_space<vmem>> -> memref<32x128xf32, #tpu.memory_space<vmem>>
        %gather3A_1045 = tpu.vector_load_idx %gather3A_1044[%add3A_5, %broadcast_in_dim3A_1031] : memref<32x128xf32, #tpu.memory_space<vmem>>[vector<16xi32>, vector<16xi32>], vector<16xf32>,
        %add3A_1046 = arith.constant 1 : i32
        %add3A_1047 = arith.addi %mul3A_880, %add3A_1046 : i32
        %broadcast_in_dim3A_1048 = vector.broadcast %add3A_1047 : i32 to vector<16xi32>
        tpu.vector_store_idx %arg7[%iota3A, %broadcast_in_dim3A_1048], %gather3A_1038 : memref<32x512xf32, #tpu.memory_space<vmem>>[vector<16xi32>, vector<16xi32>], vector<16xf32>,
        tpu.vector_store_idx %arg7[%add3A_5, %broadcast_in_dim3A_1048], %gather3A_1045 : memref<32x512xf32, #tpu.memory_space<vmem>>[vector<16xi32>, vector<16xi32>], vector<16xf32>,
        %slice3A_1049 = vector.extract_strided_slice %scan3A_287 {offsets = [10], sizes = [1], strides = [1]} : vector<16xi32> to vector<1xi32>
        %squeeze3A_1050 = vector.extract %slice3A_1049[0] : i32 from vector<1xi32>
        %broadcast_in_dim3A_1051 = vector.broadcast %squeeze3A_1050 : i32 to vector<16xi32>
        %gather3A_1052 = arith.constant 1 : i32
        %gather3A_1053 = arith.constant 2 : i32
        %gather3A_1054 = arith.constant 0 : i32
        %gather3A_1055 = arith.constant 0 : i32
        %gather3A_1056 = tpu.memref_slice %arg6[%gather3A_1052, %gather3A_1053, %gather3A_1054, %gather3A_1055] : memref<2x8x32x128xf32, #tpu.memory_space<vmem>> -> memref<1x1x32x128xf32, #tpu.memory_space<vmem>>
        %gather3A_1057 = tpu.memref_squeeze %gather3A_1056 : memref<1x1x32x128xf32, #tpu.memory_space<vmem>> -> memref<32x128xf32, #tpu.memory_space<vmem>>
        %gather3A_1058 = tpu.vector_load_idx %gather3A_1057[%iota3A, %broadcast_in_dim3A_1051] : memref<32x128xf32, #tpu.memory_space<vmem>>[vector<16xi32>, vector<16xi32>], vector<16xf32>,
        %gather3A_1059 = arith.constant 1 : i32
        %gather3A_1060 = arith.constant 2 : i32
        %gather3A_1061 = arith.constant 0 : i32
        %gather3A_1062 = arith.constant 0 : i32
        %gather3A_1063 = tpu.memref_slice %arg6[%gather3A_1059, %gather3A_1060, %gather3A_1061, %gather3A_1062] : memref<2x8x32x128xf32, #tpu.memory_space<vmem>> -> memref<1x1x32x128xf32, #tpu.memory_space<vmem>>
        %gather3A_1064 = tpu.memref_squeeze %gather3A_1063 : memref<1x1x32x128xf32, #tpu.memory_space<vmem>> -> memref<32x128xf32, #tpu.memory_space<vmem>>
        %gather3A_1065 = tpu.vector_load_idx %gather3A_1064[%add3A_5, %broadcast_in_dim3A_1051] : memref<32x128xf32, #tpu.memory_space<vmem>>[vector<16xi32>, vector<16xi32>], vector<16xf32>,
        %add3A_1066 = arith.constant 2 : i32
        %add3A_1067 = arith.addi %mul3A_880, %add3A_1066 : i32
        %broadcast_in_dim3A_1068 = vector.broadcast %add3A_1067 : i32 to vector<16xi32>
        tpu.vector_store_idx %arg7[%iota3A, %broadcast_in_dim3A_1068], %gather3A_1058 : memref<32x512xf32, #tpu.memory_space<vmem>>[vector<16xi32>, vector<16xi32>], vector<16xf32>,
        tpu.vector_store_idx %arg7[%add3A_5, %broadcast_in_dim3A_1068], %gather3A_1065 : memref<32x512xf32, #tpu.memory_space<vmem>>[vector<16xi32>, vector<16xi32>], vector<16xf32>,
        %slice3A_1069 = vector.extract_strided_slice %scan3A_287 {offsets = [11], sizes = [1], strides = [1]} : vector<16xi32> to vector<1xi32>
        %squeeze3A_1070 = vector.extract %slice3A_1069[0] : i32 from vector<1xi32>
        %broadcast_in_dim3A_1071 = vector.broadcast %squeeze3A_1070 : i32 to vector<16xi32>
        %gather3A_1072 = arith.constant 1 : i32
        %gather3A_1073 = arith.constant 3 : i32
        %gather3A_1074 = arith.constant 0 : i32
        %gather3A_1075 = arith.constant 0 : i32
        %gather3A_1076 = tpu.memref_slice %arg6[%gather3A_1072, %gather3A_1073, %gather3A_1074, %gather3A_1075] : memref<2x8x32x128xf32, #tpu.memory_space<vmem>> -> memref<1x1x32x128xf32, #tpu.memory_space<vmem>>
        %gather3A_1077 = tpu.memref_squeeze %gather3A_1076 : memref<1x1x32x128xf32, #tpu.memory_space<vmem>> -> memref<32x128xf32, #tpu.memory_space<vmem>>
        %gather3A_1078 = tpu.vector_load_idx %gather3A_1077[%iota3A, %broadcast_in_dim3A_1071] : memref<32x128xf32, #tpu.memory_space<vmem>>[vector<16xi32>, vector<16xi32>], vector<16xf32>,
        %gather3A_1079 = arith.constant 1 : i32
        %gather3A_1080 = arith.constant 3 : i32
        %gather3A_1081 = arith.constant 0 : i32
        %gather3A_1082 = arith.constant 0 : i32
        %gather3A_1083 = tpu.memref_slice %arg6[%gather3A_1079, %gather3A_1080, %gather3A_1081, %gather3A_1082] : memref<2x8x32x128xf32, #tpu.memory_space<vmem>> -> memref<1x1x32x128xf32, #tpu.memory_space<vmem>>
        %gather3A_1084 = tpu.memref_squeeze %gather3A_1083 : memref<1x1x32x128xf32, #tpu.memory_space<vmem>> -> memref<32x128xf32, #tpu.memory_space<vmem>>
        %gather3A_1085 = tpu.vector_load_idx %gather3A_1084[%add3A_5, %broadcast_in_dim3A_1071] : memref<32x128xf32, #tpu.memory_space<vmem>>[vector<16xi32>, vector<16xi32>], vector<16xf32>,
        %add3A_1086 = arith.constant 3 : i32
        %add3A_1087 = arith.addi %mul3A_880, %add3A_1086 : i32
        %broadcast_in_dim3A_1088 = vector.broadcast %add3A_1087 : i32 to vector<16xi32>
        tpu.vector_store_idx %arg7[%iota3A, %broadcast_in_dim3A_1088], %gather3A_1078 : memref<32x512xf32, #tpu.memory_space<vmem>>[vector<16xi32>, vector<16xi32>], vector<16xf32>,
        tpu.vector_store_idx %arg7[%add3A_5, %broadcast_in_dim3A_1088], %gather3A_1085 : memref<32x512xf32, #tpu.memory_space<vmem>>[vector<16xi32>, vector<16xi32>], vector<16xf32>,
        %slice3A_1089 = vector.extract_strided_slice %scan3A_287 {offsets = [12], sizes = [1], strides = [1]} : vector<16xi32> to vector<1xi32>
        %squeeze3A_1090 = vector.extract %slice3A_1089[0] : i32 from vector<1xi32>
        %broadcast_in_dim3A_1091 = vector.broadcast %squeeze3A_1090 : i32 to vector<16xi32>
        %gather3A_1092 = arith.constant 1 : i32
        %gather3A_1093 = arith.constant 4 : i32
        %gather3A_1094 = arith.constant 0 : i32
        %gather3A_1095 = arith.constant 0 : i32
        %gather3A_1096 = tpu.memref_slice %arg6[%gather3A_1092, %gather3A_1093, %gather3A_1094, %gather3A_1095] : memref<2x8x32x128xf32, #tpu.memory_space<vmem>> -> memref<1x1x32x128xf32, #tpu.memory_space<vmem>>
        %gather3A_1097 = tpu.memref_squeeze %gather3A_1096 : memref<1x1x32x128xf32, #tpu.memory_space<vmem>> -> memref<32x128xf32, #tpu.memory_space<vmem>>
        %gather3A_1098 = tpu.vector_load_idx %gather3A_1097[%iota3A, %broadcast_in_dim3A_1091] : memref<32x128xf32, #tpu.memory_space<vmem>>[vector<16xi32>, vector<16xi32>], vector<16xf32>,
        %gather3A_1099 = arith.constant 1 : i32
        %gather3A_1100 = arith.constant 4 : i32
        %gather3A_1101 = arith.constant 0 : i32
        %gather3A_1102 = arith.constant 0 : i32
        %gather3A_1103 = tpu.memref_slice %arg6[%gather3A_1099, %gather3A_1100, %gather3A_1101, %gather3A_1102] : memref<2x8x32x128xf32, #tpu.memory_space<vmem>> -> memref<1x1x32x128xf32, #tpu.memory_space<vmem>>
        %gather3A_1104 = tpu.memref_squeeze %gather3A_1103 : memref<1x1x32x128xf32, #tpu.memory_space<vmem>> -> memref<32x128xf32, #tpu.memory_space<vmem>>
        %gather3A_1105 = tpu.vector_load_idx %gather3A_1104[%add3A_5, %broadcast_in_dim3A_1091] : memref<32x128xf32, #tpu.memory_space<vmem>>[vector<16xi32>, vector<16xi32>], vector<16xf32>,
        %add3A_1106 = arith.constant 4 : i32
        %add3A_1107 = arith.addi %mul3A_880, %add3A_1106 : i32
        %broadcast_in_dim3A_1108 = vector.broadcast %add3A_1107 : i32 to vector<16xi32>
        tpu.vector_store_idx %arg7[%iota3A, %broadcast_in_dim3A_1108], %gather3A_1098 : memref<32x512xf32, #tpu.memory_space<vmem>>[vector<16xi32>, vector<16xi32>], vector<16xf32>,
        tpu.vector_store_idx %arg7[%add3A_5, %broadcast_in_dim3A_1108], %gather3A_1105 : memref<32x512xf32, #tpu.memory_space<vmem>>[vector<16xi32>, vector<16xi32>], vector<16xf32>,
        %slice3A_1109 = vector.extract_strided_slice %scan3A_287 {offsets = [13], sizes = [1], strides = [1]} : vector<16xi32> to vector<1xi32>
        %squeeze3A_1110 = vector.extract %slice3A_1109[0] : i32 from vector<1xi32>
        %broadcast_in_dim3A_1111 = vector.broadcast %squeeze3A_1110 : i32 to vector<16xi32>
        %gather3A_1112 = arith.constant 1 : i32
        %gather3A_1113 = arith.constant 5 : i32
        %gather3A_1114 = arith.constant 0 : i32
        %gather3A_1115 = arith.constant 0 : i32
        %gather3A_1116 = tpu.memref_slice %arg6[%gather3A_1112, %gather3A_1113, %gather3A_1114, %gather3A_1115] : memref<2x8x32x128xf32, #tpu.memory_space<vmem>> -> memref<1x1x32x128xf32, #tpu.memory_space<vmem>>
        %gather3A_1117 = tpu.memref_squeeze %gather3A_1116 : memref<1x1x32x128xf32, #tpu.memory_space<vmem>> -> memref<32x128xf32, #tpu.memory_space<vmem>>
        %gather3A_1118 = tpu.vector_load_idx %gather3A_1117[%iota3A, %broadcast_in_dim3A_1111] : memref<32x128xf32, #tpu.memory_space<vmem>>[vector<16xi32>, vector<16xi32>], vector<16xf32>,
        %gather3A_1119 = arith.constant 1 : i32
        %gather3A_1120 = arith.constant 5 : i32
        %gather3A_1121 = arith.constant 0 : i32
        %gather3A_1122 = arith.constant 0 : i32
        %gather3A_1123 = tpu.memref_slice %arg6[%gather3A_1119, %gather3A_1120, %gather3A_1121, %gather3A_1122] : memref<2x8x32x128xf32, #tpu.memory_space<vmem>> -> memref<1x1x32x128xf32, #tpu.memory_space<vmem>>
        %gather3A_1124 = tpu.memref_squeeze %gather3A_1123 : memref<1x1x32x128xf32, #tpu.memory_space<vmem>> -> memref<32x128xf32, #tpu.memory_space<vmem>>
        %gather3A_1125 = tpu.vector_load_idx %gather3A_1124[%add3A_5, %broadcast_in_dim3A_1111] : memref<32x128xf32, #tpu.memory_space<vmem>>[vector<16xi32>, vector<16xi32>], vector<16xf32>,
        %add3A_1126 = arith.constant 5 : i32
        %add3A_1127 = arith.addi %mul3A_880, %add3A_1126 : i32
        %broadcast_in_dim3A_1128 = vector.broadcast %add3A_1127 : i32 to vector<16xi32>
        tpu.vector_store_idx %arg7[%iota3A, %broadcast_in_dim3A_1128], %gather3A_1118 : memref<32x512xf32, #tpu.memory_space<vmem>>[vector<16xi32>, vector<16xi32>], vector<16xf32>,
        tpu.vector_store_idx %arg7[%add3A_5, %broadcast_in_dim3A_1128], %gather3A_1125 : memref<32x512xf32, #tpu.memory_space<vmem>>[vector<16xi32>, vector<16xi32>], vector<16xf32>,
        %slice3A_1129 = vector.extract_strided_slice %scan3A_287 {offsets = [14], sizes = [1], strides = [1]} : vector<16xi32> to vector<1xi32>
        %squeeze3A_1130 = vector.extract %slice3A_1129[0] : i32 from vector<1xi32>
        %broadcast_in_dim3A_1131 = vector.broadcast %squeeze3A_1130 : i32 to vector<16xi32>
        %gather3A_1132 = arith.constant 1 : i32
        %gather3A_1133 = arith.constant 6 : i32
        %gather3A_1134 = arith.constant 0 : i32
        %gather3A_1135 = arith.constant 0 : i32
        %gather3A_1136 = tpu.memref_slice %arg6[%gather3A_1132, %gather3A_1133, %gather3A_1134, %gather3A_1135] : memref<2x8x32x128xf32, #tpu.memory_space<vmem>> -> memref<1x1x32x128xf32, #tpu.memory_space<vmem>>
        %gather3A_1137 = tpu.memref_squeeze %gather3A_1136 : memref<1x1x32x128xf32, #tpu.memory_space<vmem>> -> memref<32x128xf32, #tpu.memory_space<vmem>>
        %gather3A_1138 = tpu.vector_load_idx %gather3A_1137[%iota3A, %broadcast_in_dim3A_1131] : memref<32x128xf32, #tpu.memory_space<vmem>>[vector<16xi32>, vector<16xi32>], vector<16xf32>,
        %gather3A_1139 = arith.constant 1 : i32
        %gather3A_1140 = arith.constant 6 : i32
        %gather3A_1141 = arith.constant 0 : i32
        %gather3A_1142 = arith.constant 0 : i32
        %gather3A_1143 = tpu.memref_slice %arg6[%gather3A_1139, %gather3A_1140, %gather3A_1141, %gather3A_1142] : memref<2x8x32x128xf32, #tpu.memory_space<vmem>> -> memref<1x1x32x128xf32, #tpu.memory_space<vmem>>
        %gather3A_1144 = tpu.memref_squeeze %gather3A_1143 : memref<1x1x32x128xf32, #tpu.memory_space<vmem>> -> memref<32x128xf32, #tpu.memory_space<vmem>>
        %gather3A_1145 = tpu.vector_load_idx %gather3A_1144[%add3A_5, %broadcast_in_dim3A_1131] : memref<32x128xf32, #tpu.memory_space<vmem>>[vector<16xi32>, vector<16xi32>], vector<16xf32>,
        %add3A_1146 = arith.constant 6 : i32
        %add3A_1147 = arith.addi %mul3A_880, %add3A_1146 : i32
        %broadcast_in_dim3A_1148 = vector.broadcast %add3A_1147 : i32 to vector<16xi32>
        tpu.vector_store_idx %arg7[%iota3A, %broadcast_in_dim3A_1148], %gather3A_1138 : memref<32x512xf32, #tpu.memory_space<vmem>>[vector<16xi32>, vector<16xi32>], vector<16xf32>,
        tpu.vector_store_idx %arg7[%add3A_5, %broadcast_in_dim3A_1148], %gather3A_1145 : memref<32x512xf32, #tpu.memory_space<vmem>>[vector<16xi32>, vector<16xi32>], vector<16xf32>,
        %slice3A_1149 = vector.extract_strided_slice %scan3A_287 {offsets = [15], sizes = [1], strides = [1]} : vector<16xi32> to vector<1xi32>
        %squeeze3A_1150 = vector.extract %slice3A_1149[0] : i32 from vector<1xi32>
        %broadcast_in_dim3A_1151 = vector.broadcast %squeeze3A_1150 : i32 to vector<16xi32>
        %gather3A_1152 = arith.constant 1 : i32
        %gather3A_1153 = arith.constant 7 : i32
        %gather3A_1154 = arith.constant 0 : i32
        %gather3A_1155 = arith.constant 0 : i32
        %gather3A_1156 = tpu.memref_slice %arg6[%gather3A_1152, %gather3A_1153, %gather3A_1154, %gather3A_1155] : memref<2x8x32x128xf32, #tpu.memory_space<vmem>> -> memref<1x1x32x128xf32, #tpu.memory_space<vmem>>
        %gather3A_1157 = tpu.memref_squeeze %gather3A_1156 : memref<1x1x32x128xf32, #tpu.memory_space<vmem>> -> memref<32x128xf32, #tpu.memory_space<vmem>>
        %gather3A_1158 = tpu.vector_load_idx %gather3A_1157[%iota3A, %broadcast_in_dim3A_1151] : memref<32x128xf32, #tpu.memory_space<vmem>>[vector<16xi32>, vector<16xi32>], vector<16xf32>,
        %gather3A_1159 = arith.constant 1 : i32
        %gather3A_1160 = arith.constant 7 : i32
        %gather3A_1161 = arith.constant 0 : i32
        %gather3A_1162 = arith.constant 0 : i32
        %gather3A_1163 = tpu.memref_slice %arg6[%gather3A_1159, %gather3A_1160, %gather3A_1161, %gather3A_1162] : memref<2x8x32x128xf32, #tpu.memory_space<vmem>> -> memref<1x1x32x128xf32, #tpu.memory_space<vmem>>
        %gather3A_1164 = tpu.memref_squeeze %gather3A_1163 : memref<1x1x32x128xf32, #tpu.memory_space<vmem>> -> memref<32x128xf32, #tpu.memory_space<vmem>>
        %gather3A_1165 = tpu.vector_load_idx %gather3A_1164[%add3A_5, %broadcast_in_dim3A_1151] : memref<32x128xf32, #tpu.memory_space<vmem>>[vector<16xi32>, vector<16xi32>], vector<16xf32>,
        %add3A_1166 = arith.constant 7 : i32
        %add3A_1167 = arith.addi %mul3A_880, %add3A_1166 : i32
        %broadcast_in_dim3A_1168 = vector.broadcast %add3A_1167 : i32 to vector<16xi32>
        tpu.vector_store_idx %arg7[%iota3A, %broadcast_in_dim3A_1168], %gather3A_1158 : memref<32x512xf32, #tpu.memory_space<vmem>>[vector<16xi32>, vector<16xi32>], vector<16xf32>,
        tpu.vector_store_idx %arg7[%add3A_5, %broadcast_in_dim3A_1168], %gather3A_1165 : memref<32x512xf32, #tpu.memory_space<vmem>>[vector<16xi32>, vector<16xi32>], vector<16xf32>,
      } else {
      }
      %slice3A_440 = vector.extract_strided_slice %shift_right_logical3A_292 {offsets = [8], sizes = [1], strides = [1]} : vector<16xi32> to vector<1xi32>
      %squeeze3A_441 = vector.extract %slice3A_440[0] : i32 from vector<1xi32>
      %mul3A_442 = arith.constant 128 : i32
      %mul3A_443 = arith.muli %squeeze3A_441, %mul3A_442 : i32
      %dma_start3A_444 = arith.constant 1 : i32
      %dma_start3A_445 = arith.constant 0 : i32
      %dma_start3A_446 = arith.constant 0 : i32
      %dma_start3A_447 = arith.constant 0 : i32
      %dma_start3A_448 = tpu.memref_slice %arg6[%dma_start3A_444, %dma_start3A_445, %dma_start3A_446, %dma_start3A_447] : memref<2x8x32x128xf32, #tpu.memory_space<vmem>> -> memref<1x1x32x128xf32, #tpu.memory_space<vmem>>
      %dma_start3A_449 = tpu.memref_squeeze %dma_start3A_448 : memref<1x1x32x128xf32, #tpu.memory_space<vmem>> -> memref<32x128xf32, #tpu.memory_space<vmem>>
      %dma_start3A_450 = arith.constant 0 : i32
      %dma_start3A_451 = tpu.memref_slice %arg3[%dma_start3A_450, %mul3A_443] : memref<32x1000000xf32, #tpu.memory_space<hbm>> -> memref<32x128xf32, #tpu.memory_space<hbm>>
      %dma_start3A_452 = arith.constant 0 : i32
      %dma_start3A_453 = arith.constant 0 : i32
      %dma_start3A_454 = tpu.memref_slice %arg6[%dma_start3A_444, %dma_start3A_445, %dma_start3A_452, %dma_start3A_453] : memref<2x8x32x128xf32, #tpu.memory_space<vmem>> -> memref<1x1x32x128xf32, #tpu.memory_space<vmem>>
      %dma_start3A_455 = tpu.memref_squeeze %dma_start3A_454 : memref<1x1x32x128xf32, #tpu.memory_space<vmem>> -> memref<32x128xf32, #tpu.memory_space<vmem>>
      %dma_start3A_456 = arith.constant 0 : i32
      %dma_start3A_457 = tpu.memref_slice %arg3[%dma_start3A_456, %mul3A_443] : memref<32x1000000xf32, #tpu.memory_space<hbm>> -> memref<32x128xf32, #tpu.memory_space<hbm>>
      tpu.enqueue_dma source(%dma_start3A_457 : memref<32x128xf32, #tpu.memory_space<hbm>>) target(%dma_start3A_455 : memref<32x128xf32, #tpu.memory_space<vmem>>) target_semaphore(%arg9 : memref<!tpu.dma_semaphore, #tpu.memory_space<semaphore_mem>>)
      %slice3A_458 = vector.extract_strided_slice %shift_right_logical3A_292 {offsets = [9], sizes = [1], strides = [1]} : vector<16xi32> to vector<1xi32>
      %squeeze3A_459 = vector.extract %slice3A_458[0] : i32 from vector<1xi32>
      %mul3A_460 = arith.constant 128 : i32
      %mul3A_461 = arith.muli %squeeze3A_459, %mul3A_460 : i32
      %dma_start3A_462 = arith.constant 1 : i32
      %dma_start3A_463 = arith.constant 1 : i32
      %dma_start3A_464 = arith.constant 0 : i32
      %dma_start3A_465 = arith.constant 0 : i32
      %dma_start3A_466 = tpu.memref_slice %arg6[%dma_start3A_462, %dma_start3A_463, %dma_start3A_464, %dma_start3A_465] : memref<2x8x32x128xf32, #tpu.memory_space<vmem>> -> memref<1x1x32x128xf32, #tpu.memory_space<vmem>>
      %dma_start3A_467 = tpu.memref_squeeze %dma_start3A_466 : memref<1x1x32x128xf32, #tpu.memory_space<vmem>> -> memref<32x128xf32, #tpu.memory_space<vmem>>
      %dma_start3A_468 = arith.constant 0 : i32
      %dma_start3A_469 = tpu.memref_slice %arg3[%dma_start3A_468, %mul3A_461] : memref<32x1000000xf32, #tpu.memory_space<hbm>> -> memref<32x128xf32, #tpu.memory_space<hbm>>
      %dma_start3A_470 = arith.constant 0 : i32
      %dma_start3A_471 = arith.constant 0 : i32
      %dma_start3A_472 = tpu.memref_slice %arg6[%dma_start3A_462, %dma_start3A_463, %dma_start3A_470, %dma_start3A_471] : memref<2x8x32x128xf32, #tpu.memory_space<vmem>> -> memref<1x1x32x128xf32, #tpu.memory_space<vmem>>
      %dma_start3A_473 = tpu.memref_squeeze %dma_start3A_472 : memref<1x1x32x128xf32, #tpu.memory_space<vmem>> -> memref<32x128xf32, #tpu.memory_space<vmem>>
      %dma_start3A_474 = arith.constant 0 : i32
      %dma_start3A_475 = tpu.memref_slice %arg3[%dma_start3A_474, %mul3A_461] : memref<32x1000000xf32, #tpu.memory_space<hbm>> -> memref<32x128xf32, #tpu.memory_space<hbm>>
      tpu.enqueue_dma source(%dma_start3A_475 : memref<32x128xf32, #tpu.memory_space<hbm>>) target(%dma_start3A_473 : memref<32x128xf32, #tpu.memory_space<vmem>>) target_semaphore(%arg9 : memref<!tpu.dma_semaphore, #tpu.memory_space<semaphore_mem>>)
      %slice3A_476 = vector.extract_strided_slice %shift_right_logical3A_292 {offsets = [10], sizes = [1], strides = [1]} : vector<16xi32> to vector<1xi32>
      %squeeze3A_477 = vector.extract %slice3A_476[0] : i32 from vector<1xi32>
      %mul3A_478 = arith.constant 128 : i32
      %mul3A_479 = arith.muli %squeeze3A_477, %mul3A_478 : i32
      %dma_start3A_480 = arith.constant 1 : i32
      %dma_start3A_481 = arith.constant 2 : i32
      %dma_start3A_482 = arith.constant 0 : i32
      %dma_start3A_483 = arith.constant 0 : i32
      %dma_start3A_484 = tpu.memref_slice %arg6[%dma_start3A_480, %dma_start3A_481, %dma_start3A_482, %dma_start3A_483] : memref<2x8x32x128xf32, #tpu.memory_space<vmem>> -> memref<1x1x32x128xf32, #tpu.memory_space<vmem>>
      %dma_start3A_485 = tpu.memref_squeeze %dma_start3A_484 : memref<1x1x32x128xf32, #tpu.memory_space<vmem>> -> memref<32x128xf32, #tpu.memory_space<vmem>>
      %dma_start3A_486 = arith.constant 0 : i32
      %dma_start3A_487 = tpu.memref_slice %arg3[%dma_start3A_486, %mul3A_479] : memref<32x1000000xf32, #tpu.memory_space<hbm>> -> memref<32x128xf32, #tpu.memory_space<hbm>>
      %dma_start3A_488 = arith.constant 0 : i32
      %dma_start3A_489 = arith.constant 0 : i32
      %dma_start3A_490 = tpu.memref_slice %arg6[%dma_start3A_480, %dma_start3A_481, %dma_start3A_488, %dma_start3A_489] : memref<2x8x32x128xf32, #tpu.memory_space<vmem>> -> memref<1x1x32x128xf32, #tpu.memory_space<vmem>>
      %dma_start3A_491 = tpu.memref_squeeze %dma_start3A_490 : memref<1x1x32x128xf32, #tpu.memory_space<vmem>> -> memref<32x128xf32, #tpu.memory_space<vmem>>
      %dma_start3A_492 = arith.constant 0 : i32
      %dma_start3A_493 = tpu.memref_slice %arg3[%dma_start3A_492, %mul3A_479] : memref<32x1000000xf32, #tpu.memory_space<hbm>> -> memref<32x128xf32, #tpu.memory_space<hbm>>
      tpu.enqueue_dma source(%dma_start3A_493 : memref<32x128xf32, #tpu.memory_space<hbm>>) target(%dma_start3A_491 : memref<32x128xf32, #tpu.memory_space<vmem>>) target_semaphore(%arg9 : memref<!tpu.dma_semaphore, #tpu.memory_space<semaphore_mem>>)
      %slice3A_494 = vector.extract_strided_slice %shift_right_logical3A_292 {offsets = [11], sizes = [1], strides = [1]} : vector<16xi32> to vector<1xi32>
      %squeeze3A_495 = vector.extract %slice3A_494[0] : i32 from vector<1xi32>
      %mul3A_496 = arith.constant 128 : i32
      %mul3A_497 = arith.muli %squeeze3A_495, %mul3A_496 : i32
      %dma_start3A_498 = arith.constant 1 : i32
      %dma_start3A_499 = arith.constant 3 : i32
      %dma_start3A_500 = arith.constant 0 : i32
      %dma_start3A_501 = arith.constant 0 : i32
      %dma_start3A_502 = tpu.memref_slice %arg6[%dma_start3A_498, %dma_start3A_499, %dma_start3A_500, %dma_start3A_501] : memref<2x8x32x128xf32, #tpu.memory_space<vmem>> -> memref<1x1x32x128xf32, #tpu.memory_space<vmem>>
      %dma_start3A_503 = tpu.memref_squeeze %dma_start3A_502 : memref<1x1x32x128xf32, #tpu.memory_space<vmem>> -> memref<32x128xf32, #tpu.memory_space<vmem>>
      %dma_start3A_504 = arith.constant 0 : i32
      %dma_start3A_505 = tpu.memref_slice %arg3[%dma_start3A_504, %mul3A_497] : memref<32x1000000xf32, #tpu.memory_space<hbm>> -> memref<32x128xf32, #tpu.memory_space<hbm>>
      %dma_start3A_506 = arith.constant 0 : i32
      %dma_start3A_507 = arith.constant 0 : i32
      %dma_start3A_508 = tpu.memref_slice %arg6[%dma_start3A_498, %dma_start3A_499, %dma_start3A_506, %dma_start3A_507] : memref<2x8x32x128xf32, #tpu.memory_space<vmem>> -> memref<1x1x32x128xf32, #tpu.memory_space<vmem>>
      %dma_start3A_509 = tpu.memref_squeeze %dma_start3A_508 : memref<1x1x32x128xf32, #tpu.memory_space<vmem>> -> memref<32x128xf32, #tpu.memory_space<vmem>>
      %dma_start3A_510 = arith.constant 0 : i32
      %dma_start3A_511 = tpu.memref_slice %arg3[%dma_start3A_510, %mul3A_497] : memref<32x1000000xf32, #tpu.memory_space<hbm>> -> memref<32x128xf32, #tpu.memory_space<hbm>>
      tpu.enqueue_dma source(%dma_start3A_511 : memref<32x128xf32, #tpu.memory_space<hbm>>) target(%dma_start3A_509 : memref<32x128xf32, #tpu.memory_space<vmem>>) target_semaphore(%arg9 : memref<!tpu.dma_semaphore, #tpu.memory_space<semaphore_mem>>)
      %slice3A_512 = vector.extract_strided_slice %shift_right_logical3A_292 {offsets = [12], sizes = [1], strides = [1]} : vector<16xi32> to vector<1xi32>
      %squeeze3A_513 = vector.extract %slice3A_512[0] : i32 from vector<1xi32>
      %mul3A_514 = arith.constant 128 : i32
      %mul3A_515 = arith.muli %squeeze3A_513, %mul3A_514 : i32
      %dma_start3A_516 = arith.constant 1 : i32
      %dma_start3A_517 = arith.constant 4 : i32
      %dma_start3A_518 = arith.constant 0 : i32
      %dma_start3A_519 = arith.constant 0 : i32
      %dma_start3A_520 = tpu.memref_slice %arg6[%dma_start3A_516, %dma_start3A_517, %dma_start3A_518, %dma_start3A_519] : memref<2x8x32x128xf32, #tpu.memory_space<vmem>> -> memref<1x1x32x128xf32, #tpu.memory_space<vmem>>
      %dma_start3A_521 = tpu.memref_squeeze %dma_start3A_520 : memref<1x1x32x128xf32, #tpu.memory_space<vmem>> -> memref<32x128xf32, #tpu.memory_space<vmem>>
      %dma_start3A_522 = arith.constant 0 : i32
      %dma_start3A_523 = tpu.memref_slice %arg3[%dma_start3A_522, %mul3A_515] : memref<32x1000000xf32, #tpu.memory_space<hbm>> -> memref<32x128xf32, #tpu.memory_space<hbm>>
      %dma_start3A_524 = arith.constant 0 : i32
      %dma_start3A_525 = arith.constant 0 : i32
      %dma_start3A_526 = tpu.memref_slice %arg6[%dma_start3A_516, %dma_start3A_517, %dma_start3A_524, %dma_start3A_525] : memref<2x8x32x128xf32, #tpu.memory_space<vmem>> -> memref<1x1x32x128xf32, #tpu.memory_space<vmem>>
      %dma_start3A_527 = tpu.memref_squeeze %dma_start3A_526 : memref<1x1x32x128xf32, #tpu.memory_space<vmem>> -> memref<32x128xf32, #tpu.memory_space<vmem>>
      %dma_start3A_528 = arith.constant 0 : i32
      %dma_start3A_529 = tpu.memref_slice %arg3[%dma_start3A_528, %mul3A_515] : memref<32x1000000xf32, #tpu.memory_space<hbm>> -> memref<32x128xf32, #tpu.memory_space<hbm>>
      tpu.enqueue_dma source(%dma_start3A_529 : memref<32x128xf32, #tpu.memory_space<hbm>>) target(%dma_start3A_527 : memref<32x128xf32, #tpu.memory_space<vmem>>) target_semaphore(%arg9 : memref<!tpu.dma_semaphore, #tpu.memory_space<semaphore_mem>>)
      %slice3A_530 = vector.extract_strided_slice %shift_right_logical3A_292 {offsets = [13], sizes = [1], strides = [1]} : vector<16xi32> to vector<1xi32>
      %squeeze3A_531 = vector.extract %slice3A_530[0] : i32 from vector<1xi32>
      %mul3A_532 = arith.constant 128 : i32
      %mul3A_533 = arith.muli %squeeze3A_531, %mul3A_532 : i32
      %dma_start3A_534 = arith.constant 1 : i32
      %dma_start3A_535 = arith.constant 5 : i32
      %dma_start3A_536 = arith.constant 0 : i32
      %dma_start3A_537 = arith.constant 0 : i32
      %dma_start3A_538 = tpu.memref_slice %arg6[%dma_start3A_534, %dma_start3A_535, %dma_start3A_536, %dma_start3A_537] : memref<2x8x32x128xf32, #tpu.memory_space<vmem>> -> memref<1x1x32x128xf32, #tpu.memory_space<vmem>>
      %dma_start3A_539 = tpu.memref_squeeze %dma_start3A_538 : memref<1x1x32x128xf32, #tpu.memory_space<vmem>> -> memref<32x128xf32, #tpu.memory_space<vmem>>
      %dma_start3A_540 = arith.constant 0 : i32
      %dma_start3A_541 = tpu.memref_slice %arg3[%dma_start3A_540, %mul3A_533] : memref<32x1000000xf32, #tpu.memory_space<hbm>> -> memref<32x128xf32, #tpu.memory_space<hbm>>
      %dma_start3A_542 = arith.constant 0 : i32
      %dma_start3A_543 = arith.constant 0 : i32
      %dma_start3A_544 = tpu.memref_slice %arg6[%dma_start3A_534, %dma_start3A_535, %dma_start3A_542, %dma_start3A_543] : memref<2x8x32x128xf32, #tpu.memory_space<vmem>> -> memref<1x1x32x128xf32, #tpu.memory_space<vmem>>
      %dma_start3A_545 = tpu.memref_squeeze %dma_start3A_544 : memref<1x1x32x128xf32, #tpu.memory_space<vmem>> -> memref<32x128xf32, #tpu.memory_space<vmem>>
      %dma_start3A_546 = arith.constant 0 : i32
      %dma_start3A_547 = tpu.memref_slice %arg3[%dma_start3A_546, %mul3A_533] : memref<32x1000000xf32, #tpu.memory_space<hbm>> -> memref<32x128xf32, #tpu.memory_space<hbm>>
      tpu.enqueue_dma source(%dma_start3A_547 : memref<32x128xf32, #tpu.memory_space<hbm>>) target(%dma_start3A_545 : memref<32x128xf32, #tpu.memory_space<vmem>>) target_semaphore(%arg9 : memref<!tpu.dma_semaphore, #tpu.memory_space<semaphore_mem>>)
      %slice3A_548 = vector.extract_strided_slice %shift_right_logical3A_292 {offsets = [14], sizes = [1], strides = [1]} : vector<16xi32> to vector<1xi32>
      %squeeze3A_549 = vector.extract %slice3A_548[0] : i32 from vector<1xi32>
      %mul3A_550 = arith.constant 128 : i32
      %mul3A_551 = arith.muli %squeeze3A_549, %mul3A_550 : i32
      %dma_start3A_552 = arith.constant 1 : i32
      %dma_start3A_553 = arith.constant 6 : i32
      %dma_start3A_554 = arith.constant 0 : i32
      %dma_start3A_555 = arith.constant 0 : i32
      %dma_start3A_556 = tpu.memref_slice %arg6[%dma_start3A_552, %dma_start3A_553, %dma_start3A_554, %dma_start3A_555] : memref<2x8x32x128xf32, #tpu.memory_space<vmem>> -> memref<1x1x32x128xf32, #tpu.memory_space<vmem>>
      %dma_start3A_557 = tpu.memref_squeeze %dma_start3A_556 : memref<1x1x32x128xf32, #tpu.memory_space<vmem>> -> memref<32x128xf32, #tpu.memory_space<vmem>>
      %dma_start3A_558 = arith.constant 0 : i32
      %dma_start3A_559 = tpu.memref_slice %arg3[%dma_start3A_558, %mul3A_551] : memref<32x1000000xf32, #tpu.memory_space<hbm>> -> memref<32x128xf32, #tpu.memory_space<hbm>>
      %dma_start3A_560 = arith.constant 0 : i32
      %dma_start3A_561 = arith.constant 0 : i32
      %dma_start3A_562 = tpu.memref_slice %arg6[%dma_start3A_552, %dma_start3A_553, %dma_start3A_560, %dma_start3A_561] : memref<2x8x32x128xf32, #tpu.memory_space<vmem>> -> memref<1x1x32x128xf32, #tpu.memory_space<vmem>>
      %dma_start3A_563 = tpu.memref_squeeze %dma_start3A_562 : memref<1x1x32x128xf32, #tpu.memory_space<vmem>> -> memref<32x128xf32, #tpu.memory_space<vmem>>
      %dma_start3A_564 = arith.constant 0 : i32
      %dma_start3A_565 = tpu.memref_slice %arg3[%dma_start3A_564, %mul3A_551] : memref<32x1000000xf32, #tpu.memory_space<hbm>> -> memref<32x128xf32, #tpu.memory_space<hbm>>
      tpu.enqueue_dma source(%dma_start3A_565 : memref<32x128xf32, #tpu.memory_space<hbm>>) target(%dma_start3A_563 : memref<32x128xf32, #tpu.memory_space<vmem>>) target_semaphore(%arg9 : memref<!tpu.dma_semaphore, #tpu.memory_space<semaphore_mem>>)
      %slice3A_566 = vector.extract_strided_slice %shift_right_logical3A_292 {offsets = [15], sizes = [1], strides = [1]} : vector<16xi32> to vector<1xi32>
      %squeeze3A_567 = vector.extract %slice3A_566[0] : i32 from vector<1xi32>
      %mul3A_568 = arith.constant 128 : i32
      %mul3A_569 = arith.muli %squeeze3A_567, %mul3A_568 : i32
      %dma_start3A_570 = arith.constant 1 : i32
      %dma_start3A_571 = arith.constant 7 : i32
      %dma_start3A_572 = arith.constant 0 : i32
      %dma_start3A_573 = arith.constant 0 : i32
      %dma_start3A_574 = tpu.memref_slice %arg6[%dma_start3A_570, %dma_start3A_571, %dma_start3A_572, %dma_start3A_573] : memref<2x8x32x128xf32, #tpu.memory_space<vmem>> -> memref<1x1x32x128xf32, #tpu.memory_space<vmem>>
      %dma_start3A_575 = tpu.memref_squeeze %dma_start3A_574 : memref<1x1x32x128xf32, #tpu.memory_space<vmem>> -> memref<32x128xf32, #tpu.memory_space<vmem>>
      %dma_start3A_576 = arith.constant 0 : i32
      %dma_start3A_577 = tpu.memref_slice %arg3[%dma_start3A_576, %mul3A_569] : memref<32x1000000xf32, #tpu.memory_space<hbm>> -> memref<32x128xf32, #tpu.memory_space<hbm>>
      %dma_start3A_578 = arith.constant 0 : i32
      %dma_start3A_579 = arith.constant 0 : i32
      %dma_start3A_580 = tpu.memref_slice %arg6[%dma_start3A_570, %dma_start3A_571, %dma_start3A_578, %dma_start3A_579] : memref<2x8x32x128xf32, #tpu.memory_space<vmem>> -> memref<1x1x32x128xf32, #tpu.memory_space<vmem>>
      %dma_start3A_581 = tpu.memref_squeeze %dma_start3A_580 : memref<1x1x32x128xf32, #tpu.memory_space<vmem>> -> memref<32x128xf32, #tpu.memory_space<vmem>>
      %dma_start3A_582 = arith.constant 0 : i32
      %dma_start3A_583 = tpu.memref_slice %arg3[%dma_start3A_582, %mul3A_569] : memref<32x1000000xf32, #tpu.memory_space<hbm>> -> memref<32x128xf32, #tpu.memory_space<hbm>>
      tpu.enqueue_dma source(%dma_start3A_583 : memref<32x128xf32, #tpu.memory_space<hbm>>) target(%dma_start3A_581 : memref<32x128xf32, #tpu.memory_space<vmem>>) target_semaphore(%arg9 : memref<!tpu.dma_semaphore, #tpu.memory_space<semaphore_mem>>)
      %mul3A_584 = arith.constant 2 : i32
      %mul3A_585 = arith.muli %mul3A_584, %scan3A_286 : i32
      %mul3A_586 = arith.constant 8 : i32
      %mul3A_587 = arith.muli %mul3A_585, %mul3A_586 : i32
      %dma_wait3A_588 = arith.constant 0 : i32
      %dma_wait3A_589 = arith.constant 0 : i32
      %dma_wait3A_590 = arith.constant 0 : i32
      %dma_wait3A_591 = arith.constant 0 : i32
      %dma_wait3A_592 = tpu.memref_slice %arg6[%dma_wait3A_588, %dma_wait3A_589, %dma_wait3A_590, %dma_wait3A_591] : memref<2x8x32x128xf32, #tpu.memory_space<vmem>> -> memref<1x1x32x128xf32, #tpu.memory_space<vmem>>
      %dma_wait3A_593 = tpu.memref_squeeze %dma_wait3A_592 : memref<1x1x32x128xf32, #tpu.memory_space<vmem>> -> memref<32x128xf32, #tpu.memory_space<vmem>>
      %dma_wait3A_594 = arith.constant 0 : i32
      %dma_wait3A_595 = arith.constant 0 : i32
      %dma_wait3A_596 = tpu.memref_slice %arg3[%dma_wait3A_594, %dma_wait3A_595] : memref<32x1000000xf32, #tpu.memory_space<hbm>> -> memref<32x128xf32, #tpu.memory_space<hbm>>
      %dma_wait3A_597 = arith.constant 0 : i32
      %dma_wait3A_598 = arith.constant 0 : i32
      %dma_wait3A_599 = tpu.memref_slice %arg6[%dma_wait3A_588, %dma_wait3A_589, %dma_wait3A_597, %dma_wait3A_598] : memref<2x8x32x128xf32, #tpu.memory_space<vmem>> -> memref<1x1x32x128xf32, #tpu.memory_space<vmem>>
      %dma_wait3A_600 = tpu.memref_squeeze %dma_wait3A_599 : memref<1x1x32x128xf32, #tpu.memory_space<vmem>> -> memref<32x128xf32, #tpu.memory_space<vmem>>
      %dma_wait3A_601 = arith.constant 0 : i32
      %dma_wait3A_602 = arith.constant 0 : i32
      %dma_wait3A_603 = tpu.memref_slice %arg3[%dma_wait3A_601, %dma_wait3A_602] : memref<32x1000000xf32, #tpu.memory_space<hbm>> -> memref<32x128xf32, #tpu.memory_space<hbm>>
      tpu.wait_dma2 semaphore(%arg8 : memref<!tpu.dma_semaphore, #tpu.memory_space<semaphore_mem>>) src(%dma_wait3A_603 : memref<32x128xf32, #tpu.memory_space<hbm>>) dst(%dma_wait3A_600 : memref<32x128xf32, #tpu.memory_space<vmem>>)
      %dma_wait3A_604 = arith.constant 0 : i32
      %dma_wait3A_605 = arith.constant 1 : i32
      %dma_wait3A_606 = arith.constant 0 : i32
      %dma_wait3A_607 = arith.constant 0 : i32
      %dma_wait3A_608 = tpu.memref_slice %arg6[%dma_wait3A_604, %dma_wait3A_605, %dma_wait3A_606, %dma_wait3A_607] : memref<2x8x32x128xf32, #tpu.memory_space<vmem>> -> memref<1x1x32x128xf32, #tpu.memory_space<vmem>>
      %dma_wait3A_609 = tpu.memref_squeeze %dma_wait3A_608 : memref<1x1x32x128xf32, #tpu.memory_space<vmem>> -> memref<32x128xf32, #tpu.memory_space<vmem>>
      %dma_wait3A_610 = arith.constant 0 : i32
      %dma_wait3A_611 = arith.constant 0 : i32
      %dma_wait3A_612 = tpu.memref_slice %arg3[%dma_wait3A_610, %dma_wait3A_611] : memref<32x1000000xf32, #tpu.memory_space<hbm>> -> memref<32x128xf32, #tpu.memory_space<hbm>>
      %dma_wait3A_613 = arith.constant 0 : i32
      %dma_wait3A_614 = arith.constant 0 : i32
      %dma_wait3A_615 = tpu.memref_slice %arg6[%dma_wait3A_604, %dma_wait3A_605, %dma_wait3A_613, %dma_wait3A_614] : memref<2x8x32x128xf32, #tpu.memory_space<vmem>> -> memref<1x1x32x128xf32, #tpu.memory_space<vmem>>
      %dma_wait3A_616 = tpu.memref_squeeze %dma_wait3A_615 : memref<1x1x32x128xf32, #tpu.memory_space<vmem>> -> memref<32x128xf32, #tpu.memory_space<vmem>>
      %dma_wait3A_617 = arith.constant 0 : i32
      %dma_wait3A_618 = arith.constant 0 : i32
      %dma_wait3A_619 = tpu.memref_slice %arg3[%dma_wait3A_617, %dma_wait3A_618] : memref<32x1000000xf32, #tpu.memory_space<hbm>> -> memref<32x128xf32, #tpu.memory_space<hbm>>
      tpu.wait_dma2 semaphore(%arg8 : memref<!tpu.dma_semaphore, #tpu.memory_space<semaphore_mem>>) src(%dma_wait3A_619 : memref<32x128xf32, #tpu.memory_space<hbm>>) dst(%dma_wait3A_616 : memref<32x128xf32, #tpu.memory_space<vmem>>)
      %dma_wait3A_620 = arith.constant 0 : i32
      %dma_wait3A_621 = arith.constant 2 : i32
      %dma_wait3A_622 = arith.constant 0 : i32
      %dma_wait3A_623 = arith.constant 0 : i32
      %dma_wait3A_624 = tpu.memref_slice %arg6[%dma_wait3A_620, %dma_wait3A_621, %dma_wait3A_622, %dma_wait3A_623] : memref<2x8x32x128xf32, #tpu.memory_space<vmem>> -> memref<1x1x32x128xf32, #tpu.memory_space<vmem>>
      %dma_wait3A_625 = tpu.memref_squeeze %dma_wait3A_624 : memref<1x1x32x128xf32, #tpu.memory_space<vmem>> -> memref<32x128xf32, #tpu.memory_space<vmem>>
      %dma_wait3A_626 = arith.constant 0 : i32
      %dma_wait3A_627 = arith.constant 0 : i32
      %dma_wait3A_628 = tpu.memref_slice %arg3[%dma_wait3A_626, %dma_wait3A_627] : memref<32x1000000xf32, #tpu.memory_space<hbm>> -> memref<32x128xf32, #tpu.memory_space<hbm>>
      %dma_wait3A_629 = arith.constant 0 : i32
      %dma_wait3A_630 = arith.constant 0 : i32
      %dma_wait3A_631 = tpu.memref_slice %arg6[%dma_wait3A_620, %dma_wait3A_621, %dma_wait3A_629, %dma_wait3A_630] : memref<2x8x32x128xf32, #tpu.memory_space<vmem>> -> memref<1x1x32x128xf32, #tpu.memory_space<vmem>>
      %dma_wait3A_632 = tpu.memref_squeeze %dma_wait3A_631 : memref<1x1x32x128xf32, #tpu.memory_space<vmem>> -> memref<32x128xf32, #tpu.memory_space<vmem>>
      %dma_wait3A_633 = arith.constant 0 : i32
      %dma_wait3A_634 = arith.constant 0 : i32
      %dma_wait3A_635 = tpu.memref_slice %arg3[%dma_wait3A_633, %dma_wait3A_634] : memref<32x1000000xf32, #tpu.memory_space<hbm>> -> memref<32x128xf32, #tpu.memory_space<hbm>>
      tpu.wait_dma2 semaphore(%arg8 : memref<!tpu.dma_semaphore, #tpu.memory_space<semaphore_mem>>) src(%dma_wait3A_635 : memref<32x128xf32, #tpu.memory_space<hbm>>) dst(%dma_wait3A_632 : memref<32x128xf32, #tpu.memory_space<vmem>>)
      %dma_wait3A_636 = arith.constant 0 : i32
      %dma_wait3A_637 = arith.constant 3 : i32
      %dma_wait3A_638 = arith.constant 0 : i32
      %dma_wait3A_639 = arith.constant 0 : i32
      %dma_wait3A_640 = tpu.memref_slice %arg6[%dma_wait3A_636, %dma_wait3A_637, %dma_wait3A_638, %dma_wait3A_639] : memref<2x8x32x128xf32, #tpu.memory_space<vmem>> -> memref<1x1x32x128xf32, #tpu.memory_space<vmem>>
      %dma_wait3A_641 = tpu.memref_squeeze %dma_wait3A_640 : memref<1x1x32x128xf32, #tpu.memory_space<vmem>> -> memref<32x128xf32, #tpu.memory_space<vmem>>
      %dma_wait3A_642 = arith.constant 0 : i32
      %dma_wait3A_643 = arith.constant 0 : i32
      %dma_wait3A_644 = tpu.memref_slice %arg3[%dma_wait3A_642, %dma_wait3A_643] : memref<32x1000000xf32, #tpu.memory_space<hbm>> -> memref<32x128xf32, #tpu.memory_space<hbm>>
      %dma_wait3A_645 = arith.constant 0 : i32
      %dma_wait3A_646 = arith.constant 0 : i32
      %dma_wait3A_647 = tpu.memref_slice %arg6[%dma_wait3A_636, %dma_wait3A_637, %dma_wait3A_645, %dma_wait3A_646] : memref<2x8x32x128xf32, #tpu.memory_space<vmem>> -> memref<1x1x32x128xf32, #tpu.memory_space<vmem>>
      %dma_wait3A_648 = tpu.memref_squeeze %dma_wait3A_647 : memref<1x1x32x128xf32, #tpu.memory_space<vmem>> -> memref<32x128xf32, #tpu.memory_space<vmem>>
      %dma_wait3A_649 = arith.constant 0 : i32
      %dma_wait3A_650 = arith.constant 0 : i32
      %dma_wait3A_651 = tpu.memref_slice %arg3[%dma_wait3A_649, %dma_wait3A_650] : memref<32x1000000xf32, #tpu.memory_space<hbm>> -> memref<32x128xf32, #tpu.memory_space<hbm>>
      tpu.wait_dma2 semaphore(%arg8 : memref<!tpu.dma_semaphore, #tpu.memory_space<semaphore_mem>>) src(%dma_wait3A_651 : memref<32x128xf32, #tpu.memory_space<hbm>>) dst(%dma_wait3A_648 : memref<32x128xf32, #tpu.memory_space<vmem>>)
      %dma_wait3A_652 = arith.constant 0 : i32
      %dma_wait3A_653 = arith.constant 4 : i32
      %dma_wait3A_654 = arith.constant 0 : i32
      %dma_wait3A_655 = arith.constant 0 : i32
      %dma_wait3A_656 = tpu.memref_slice %arg6[%dma_wait3A_652, %dma_wait3A_653, %dma_wait3A_654, %dma_wait3A_655] : memref<2x8x32x128xf32, #tpu.memory_space<vmem>> -> memref<1x1x32x128xf32, #tpu.memory_space<vmem>>
      %dma_wait3A_657 = tpu.memref_squeeze %dma_wait3A_656 : memref<1x1x32x128xf32, #tpu.memory_space<vmem>> -> memref<32x128xf32, #tpu.memory_space<vmem>>
      %dma_wait3A_658 = arith.constant 0 : i32
      %dma_wait3A_659 = arith.constant 0 : i32
      %dma_wait3A_660 = tpu.memref_slice %arg3[%dma_wait3A_658, %dma_wait3A_659] : memref<32x1000000xf32, #tpu.memory_space<hbm>> -> memref<32x128xf32, #tpu.memory_space<hbm>>
      %dma_wait3A_661 = arith.constant 0 : i32
      %dma_wait3A_662 = arith.constant 0 : i32
      %dma_wait3A_663 = tpu.memref_slice %arg6[%dma_wait3A_652, %dma_wait3A_653, %dma_wait3A_661, %dma_wait3A_662] : memref<2x8x32x128xf32, #tpu.memory_space<vmem>> -> memref<1x1x32x128xf32, #tpu.memory_space<vmem>>
      %dma_wait3A_664 = tpu.memref_squeeze %dma_wait3A_663 : memref<1x1x32x128xf32, #tpu.memory_space<vmem>> -> memref<32x128xf32, #tpu.memory_space<vmem>>
      %dma_wait3A_665 = arith.constant 0 : i32
      %dma_wait3A_666 = arith.constant 0 : i32
      %dma_wait3A_667 = tpu.memref_slice %arg3[%dma_wait3A_665, %dma_wait3A_666] : memref<32x1000000xf32, #tpu.memory_space<hbm>> -> memref<32x128xf32, #tpu.memory_space<hbm>>
      tpu.wait_dma2 semaphore(%arg8 : memref<!tpu.dma_semaphore, #tpu.memory_space<semaphore_mem>>) src(%dma_wait3A_667 : memref<32x128xf32, #tpu.memory_space<hbm>>) dst(%dma_wait3A_664 : memref<32x128xf32, #tpu.memory_space<vmem>>)
      %dma_wait3A_668 = arith.constant 0 : i32
      %dma_wait3A_669 = arith.constant 5 : i32
      %dma_wait3A_670 = arith.constant 0 : i32
      %dma_wait3A_671 = arith.constant 0 : i32
      %dma_wait3A_672 = tpu.memref_slice %arg6[%dma_wait3A_668, %dma_wait3A_669, %dma_wait3A_670, %dma_wait3A_671] : memref<2x8x32x128xf32, #tpu.memory_space<vmem>> -> memref<1x1x32x128xf32, #tpu.memory_space<vmem>>
      %dma_wait3A_673 = tpu.memref_squeeze %dma_wait3A_672 : memref<1x1x32x128xf32, #tpu.memory_space<vmem>> -> memref<32x128xf32, #tpu.memory_space<vmem>>
      %dma_wait3A_674 = arith.constant 0 : i32
      %dma_wait3A_675 = arith.constant 0 : i32
      %dma_wait3A_676 = tpu.memref_slice %arg3[%dma_wait3A_674, %dma_wait3A_675] : memref<32x1000000xf32, #tpu.memory_space<hbm>> -> memref<32x128xf32, #tpu.memory_space<hbm>>
      %dma_wait3A_677 = arith.constant 0 : i32
      %dma_wait3A_678 = arith.constant 0 : i32
      %dma_wait3A_679 = tpu.memref_slice %arg6[%dma_wait3A_668, %dma_wait3A_669, %dma_wait3A_677, %dma_wait3A_678] : memref<2x8x32x128xf32, #tpu.memory_space<vmem>> -> memref<1x1x32x128xf32, #tpu.memory_space<vmem>>
      %dma_wait3A_680 = tpu.memref_squeeze %dma_wait3A_679 : memref<1x1x32x128xf32, #tpu.memory_space<vmem>> -> memref<32x128xf32, #tpu.memory_space<vmem>>
      %dma_wait3A_681 = arith.constant 0 : i32
      %dma_wait3A_682 = arith.constant 0 : i32
      %dma_wait3A_683 = tpu.memref_slice %arg3[%dma_wait3A_681, %dma_wait3A_682] : memref<32x1000000xf32, #tpu.memory_space<hbm>> -> memref<32x128xf32, #tpu.memory_space<hbm>>
      tpu.wait_dma2 semaphore(%arg8 : memref<!tpu.dma_semaphore, #tpu.memory_space<semaphore_mem>>) src(%dma_wait3A_683 : memref<32x128xf32, #tpu.memory_space<hbm>>) dst(%dma_wait3A_680 : memref<32x128xf32, #tpu.memory_space<vmem>>)
      %dma_wait3A_684 = arith.constant 0 : i32
      %dma_wait3A_685 = arith.constant 6 : i32
      %dma_wait3A_686 = arith.constant 0 : i32
      %dma_wait3A_687 = arith.constant 0 : i32
      %dma_wait3A_688 = tpu.memref_slice %arg6[%dma_wait3A_684, %dma_wait3A_685, %dma_wait3A_686, %dma_wait3A_687] : memref<2x8x32x128xf32, #tpu.memory_space<vmem>> -> memref<1x1x32x128xf32, #tpu.memory_space<vmem>>
      %dma_wait3A_689 = tpu.memref_squeeze %dma_wait3A_688 : memref<1x1x32x128xf32, #tpu.memory_space<vmem>> -> memref<32x128xf32, #tpu.memory_space<vmem>>
      %dma_wait3A_690 = arith.constant 0 : i32
      %dma_wait3A_691 = arith.constant 0 : i32
      %dma_wait3A_692 = tpu.memref_slice %arg3[%dma_wait3A_690, %dma_wait3A_691] : memref<32x1000000xf32, #tpu.memory_space<hbm>> -> memref<32x128xf32, #tpu.memory_space<hbm>>
      %dma_wait3A_693 = arith.constant 0 : i32
      %dma_wait3A_694 = arith.constant 0 : i32
      %dma_wait3A_695 = tpu.memref_slice %arg6[%dma_wait3A_684, %dma_wait3A_685, %dma_wait3A_693, %dma_wait3A_694] : memref<2x8x32x128xf32, #tpu.memory_space<vmem>> -> memref<1x1x32x128xf32, #tpu.memory_space<vmem>>
      %dma_wait3A_696 = tpu.memref_squeeze %dma_wait3A_695 : memref<1x1x32x128xf32, #tpu.memory_space<vmem>> -> memref<32x128xf32, #tpu.memory_space<vmem>>
      %dma_wait3A_697 = arith.constant 0 : i32
      %dma_wait3A_698 = arith.constant 0 : i32
      %dma_wait3A_699 = tpu.memref_slice %arg3[%dma_wait3A_697, %dma_wait3A_698] : memref<32x1000000xf32, #tpu.memory_space<hbm>> -> memref<32x128xf32, #tpu.memory_space<hbm>>
      tpu.wait_dma2 semaphore(%arg8 : memref<!tpu.dma_semaphore, #tpu.memory_space<semaphore_mem>>) src(%dma_wait3A_699 : memref<32x128xf32, #tpu.memory_space<hbm>>) dst(%dma_wait3A_696 : memref<32x128xf32, #tpu.memory_space<vmem>>)
      %dma_wait3A_700 = arith.constant 0 : i32
      %dma_wait3A_701 = arith.constant 7 : i32
      %dma_wait3A_702 = arith.constant 0 : i32
      %dma_wait3A_703 = arith.constant 0 : i32
      %dma_wait3A_704 = tpu.memref_slice %arg6[%dma_wait3A_700, %dma_wait3A_701, %dma_wait3A_702, %dma_wait3A_703] : memref<2x8x32x128xf32, #tpu.memory_space<vmem>> -> memref<1x1x32x128xf32, #tpu.memory_space<vmem>>
      %dma_wait3A_705 = tpu.memref_squeeze %dma_wait3A_704 : memref<1x1x32x128xf32, #tpu.memory_space<vmem>> -> memref<32x128xf32, #tpu.memory_space<vmem>>
      %dma_wait3A_706 = arith.constant 0 : i32
      %dma_wait3A_707 = arith.constant 0 : i32
      %dma_wait3A_708 = tpu.memref_slice %arg3[%dma_wait3A_706, %dma_wait3A_707] : memref<32x1000000xf32, #tpu.memory_space<hbm>> -> memref<32x128xf32, #tpu.memory_space<hbm>>
      %dma_wait3A_709 = arith.constant 0 : i32
      %dma_wait3A_710 = arith.constant 0 : i32
      %dma_wait3A_711 = tpu.memref_slice %arg6[%dma_wait3A_700, %dma_wait3A_701, %dma_wait3A_709, %dma_wait3A_710] : memref<2x8x32x128xf32, #tpu.memory_space<vmem>> -> memref<1x1x32x128xf32, #tpu.memory_space<vmem>>
      %dma_wait3A_712 = tpu.memref_squeeze %dma_wait3A_711 : memref<1x1x32x128xf32, #tpu.memory_space<vmem>> -> memref<32x128xf32, #tpu.memory_space<vmem>>
      %dma_wait3A_713 = arith.constant 0 : i32
      %dma_wait3A_714 = arith.constant 0 : i32
      %dma_wait3A_715 = tpu.memref_slice %arg3[%dma_wait3A_713, %dma_wait3A_714] : memref<32x1000000xf32, #tpu.memory_space<hbm>> -> memref<32x128xf32, #tpu.memory_space<hbm>>
      tpu.wait_dma2 semaphore(%arg8 : memref<!tpu.dma_semaphore, #tpu.memory_space<semaphore_mem>>) src(%dma_wait3A_715 : memref<32x128xf32, #tpu.memory_space<hbm>>) dst(%dma_wait3A_712 : memref<32x128xf32, #tpu.memory_space<vmem>>)
      %slice3A_716 = vector.extract_strided_slice %and3A_294 {offsets = [0], sizes = [1], strides = [1]} : vector<16xi32> to vector<1xi32>
      %squeeze3A_717 = vector.extract %slice3A_716[0] : i32 from vector<1xi32>
      %broadcast_in_dim3A_718 = vector.broadcast %squeeze3A_717 : i32 to vector<16xi32>
      %gather3A_719 = arith.constant 0 : i32
      %gather3A_720 = arith.constant 0 : i32
      %gather3A_721 = arith.constant 0 : i32
      %gather3A_722 = arith.constant 0 : i32
      %gather3A_723 = tpu.memref_slice %arg6[%gather3A_719, %gather3A_720, %gather3A_721, %gather3A_722] : memref<2x8x32x128xf32, #tpu.memory_space<vmem>> -> memref<1x1x32x128xf32, #tpu.memory_space<vmem>>
      %gather3A_724 = tpu.memref_squeeze %gather3A_723 : memref<1x1x32x128xf32, #tpu.memory_space<vmem>> -> memref<32x128xf32, #tpu.memory_space<vmem>>
      %gather3A_725 = tpu.vector_load_idx %gather3A_724[%iota3A, %broadcast_in_dim3A_718] : memref<32x128xf32, #tpu.memory_space<vmem>>[vector<16xi32>, vector<16xi32>], vector<16xf32>,
      %gather3A_726 = arith.constant 0 : i32
      %gather3A_727 = arith.constant 0 : i32
      %gather3A_728 = arith.constant 0 : i32
      %gather3A_729 = arith.constant 0 : i32
      %gather3A_730 = tpu.memref_slice %arg6[%gather3A_726, %gather3A_727, %gather3A_728, %gather3A_729] : memref<2x8x32x128xf32, #tpu.memory_space<vmem>> -> memref<1x1x32x128xf32, #tpu.memory_space<vmem>>
      %gather3A_731 = tpu.memref_squeeze %gather3A_730 : memref<1x1x32x128xf32, #tpu.memory_space<vmem>> -> memref<32x128xf32, #tpu.memory_space<vmem>>
      %gather3A_732 = tpu.vector_load_idx %gather3A_731[%add3A_5, %broadcast_in_dim3A_718] : memref<32x128xf32, #tpu.memory_space<vmem>>[vector<16xi32>, vector<16xi32>], vector<16xf32>,
      %add3A_733 = arith.constant 0 : i32
      %add3A_734 = arith.addi %mul3A_587, %add3A_733 : i32
      %broadcast_in_dim3A_735 = vector.broadcast %add3A_734 : i32 to vector<16xi32>
      tpu.vector_store_idx %arg7[%iota3A, %broadcast_in_dim3A_735], %gather3A_725 : memref<32x512xf32, #tpu.memory_space<vmem>>[vector<16xi32>, vector<16xi32>], vector<16xf32>,
      tpu.vector_store_idx %arg7[%add3A_5, %broadcast_in_dim3A_735], %gather3A_732 : memref<32x512xf32, #tpu.memory_space<vmem>>[vector<16xi32>, vector<16xi32>], vector<16xf32>,
      %slice3A_736 = vector.extract_strided_slice %and3A_294 {offsets = [1], sizes = [1], strides = [1]} : vector<16xi32> to vector<1xi32>
      %squeeze3A_737 = vector.extract %slice3A_736[0] : i32 from vector<1xi32>
      %broadcast_in_dim3A_738 = vector.broadcast %squeeze3A_737 : i32 to vector<16xi32>
      %gather3A_739 = arith.constant 0 : i32
      %gather3A_740 = arith.constant 1 : i32
      %gather3A_741 = arith.constant 0 : i32
      %gather3A_742 = arith.constant 0 : i32
      %gather3A_743 = tpu.memref_slice %arg6[%gather3A_739, %gather3A_740, %gather3A_741, %gather3A_742] : memref<2x8x32x128xf32, #tpu.memory_space<vmem>> -> memref<1x1x32x128xf32, #tpu.memory_space<vmem>>
      %gather3A_744 = tpu.memref_squeeze %gather3A_743 : memref<1x1x32x128xf32, #tpu.memory_space<vmem>> -> memref<32x128xf32, #tpu.memory_space<vmem>>
      %gather3A_745 = tpu.vector_load_idx %gather3A_744[%iota3A, %broadcast_in_dim3A_738] : memref<32x128xf32, #tpu.memory_space<vmem>>[vector<16xi32>, vector<16xi32>], vector<16xf32>,
      %gather3A_746 = arith.constant 0 : i32
      %gather3A_747 = arith.constant 1 : i32
      %gather3A_748 = arith.constant 0 : i32
      %gather3A_749 = arith.constant 0 : i32
      %gather3A_750 = tpu.memref_slice %arg6[%gather3A_746, %gather3A_747, %gather3A_748, %gather3A_749] : memref<2x8x32x128xf32, #tpu.memory_space<vmem>> -> memref<1x1x32x128xf32, #tpu.memory_space<vmem>>
      %gather3A_751 = tpu.memref_squeeze %gather3A_750 : memref<1x1x32x128xf32, #tpu.memory_space<vmem>> -> memref<32x128xf32, #tpu.memory_space<vmem>>
      %gather3A_752 = tpu.vector_load_idx %gather3A_751[%add3A_5, %broadcast_in_dim3A_738] : memref<32x128xf32, #tpu.memory_space<vmem>>[vector<16xi32>, vector<16xi32>], vector<16xf32>,
      %add3A_753 = arith.constant 1 : i32
      %add3A_754 = arith.addi %mul3A_587, %add3A_753 : i32
      %broadcast_in_dim3A_755 = vector.broadcast %add3A_754 : i32 to vector<16xi32>
      tpu.vector_store_idx %arg7[%iota3A, %broadcast_in_dim3A_755], %gather3A_745 : memref<32x512xf32, #tpu.memory_space<vmem>>[vector<16xi32>, vector<16xi32>], vector<16xf32>,
      tpu.vector_store_idx %arg7[%add3A_5, %broadcast_in_dim3A_755], %gather3A_752 : memref<32x512xf32, #tpu.memory_space<vmem>>[vector<16xi32>, vector<16xi32>], vector<16xf32>,
      %slice3A_756 = vector.extract_strided_slice %and3A_294 {offsets = [2], sizes = [1], strides = [1]} : vector<16xi32> to vector<1xi32>
      %squeeze3A_757 = vector.extract %slice3A_756[0] : i32 from vector<1xi32>
      %broadcast_in_dim3A_758 = vector.broadcast %squeeze3A_757 : i32 to vector<16xi32>
      %gather3A_759 = arith.constant 0 : i32
      %gather3A_760 = arith.constant 2 : i32
      %gather3A_761 = arith.constant 0 : i32
      %gather3A_762 = arith.constant 0 : i32
      %gather3A_763 = tpu.memref_slice %arg6[%gather3A_759, %gather3A_760, %gather3A_761, %gather3A_762] : memref<2x8x32x128xf32, #tpu.memory_space<vmem>> -> memref<1x1x32x128xf32, #tpu.memory_space<vmem>>
      %gather3A_764 = tpu.memref_squeeze %gather3A_763 : memref<1x1x32x128xf32, #tpu.memory_space<vmem>> -> memref<32x128xf32, #tpu.memory_space<vmem>>
      %gather3A_765 = tpu.vector_load_idx %gather3A_764[%iota3A, %broadcast_in_dim3A_758] : memref<32x128xf32, #tpu.memory_space<vmem>>[vector<16xi32>, vector<16xi32>], vector<16xf32>,
      %gather3A_766 = arith.constant 0 : i32
      %gather3A_767 = arith.constant 2 : i32
      %gather3A_768 = arith.constant 0 : i32
      %gather3A_769 = arith.constant 0 : i32
      %gather3A_770 = tpu.memref_slice %arg6[%gather3A_766, %gather3A_767, %gather3A_768, %gather3A_769] : memref<2x8x32x128xf32, #tpu.memory_space<vmem>> -> memref<1x1x32x128xf32, #tpu.memory_space<vmem>>
      %gather3A_771 = tpu.memref_squeeze %gather3A_770 : memref<1x1x32x128xf32, #tpu.memory_space<vmem>> -> memref<32x128xf32, #tpu.memory_space<vmem>>
      %gather3A_772 = tpu.vector_load_idx %gather3A_771[%add3A_5, %broadcast_in_dim3A_758] : memref<32x128xf32, #tpu.memory_space<vmem>>[vector<16xi32>, vector<16xi32>], vector<16xf32>,
      %add3A_773 = arith.constant 2 : i32
      %add3A_774 = arith.addi %mul3A_587, %add3A_773 : i32
      %broadcast_in_dim3A_775 = vector.broadcast %add3A_774 : i32 to vector<16xi32>
      tpu.vector_store_idx %arg7[%iota3A, %broadcast_in_dim3A_775], %gather3A_765 : memref<32x512xf32, #tpu.memory_space<vmem>>[vector<16xi32>, vector<16xi32>], vector<16xf32>,
      tpu.vector_store_idx %arg7[%add3A_5, %broadcast_in_dim3A_775], %gather3A_772 : memref<32x512xf32, #tpu.memory_space<vmem>>[vector<16xi32>, vector<16xi32>], vector<16xf32>,
      %slice3A_776 = vector.extract_strided_slice %and3A_294 {offsets = [3], sizes = [1], strides = [1]} : vector<16xi32> to vector<1xi32>
      %squeeze3A_777 = vector.extract %slice3A_776[0] : i32 from vector<1xi32>
      %broadcast_in_dim3A_778 = vector.broadcast %squeeze3A_777 : i32 to vector<16xi32>
      %gather3A_779 = arith.constant 0 : i32
      %gather3A_780 = arith.constant 3 : i32
      %gather3A_781 = arith.constant 0 : i32
      %gather3A_782 = arith.constant 0 : i32
      %gather3A_783 = tpu.memref_slice %arg6[%gather3A_779, %gather3A_780, %gather3A_781, %gather3A_782] : memref<2x8x32x128xf32, #tpu.memory_space<vmem>> -> memref<1x1x32x128xf32, #tpu.memory_space<vmem>>
      %gather3A_784 = tpu.memref_squeeze %gather3A_783 : memref<1x1x32x128xf32, #tpu.memory_space<vmem>> -> memref<32x128xf32, #tpu.memory_space<vmem>>
      %gather3A_785 = tpu.vector_load_idx %gather3A_784[%iota3A, %broadcast_in_dim3A_778] : memref<32x128xf32, #tpu.memory_space<vmem>>[vector<16xi32>, vector<16xi32>], vector<16xf32>,
      %gather3A_786 = arith.constant 0 : i32
      %gather3A_787 = arith.constant 3 : i32
      %gather3A_788 = arith.constant 0 : i32
      %gather3A_789 = arith.constant 0 : i32
      %gather3A_790 = tpu.memref_slice %arg6[%gather3A_786, %gather3A_787, %gather3A_788, %gather3A_789] : memref<2x8x32x128xf32, #tpu.memory_space<vmem>> -> memref<1x1x32x128xf32, #tpu.memory_space<vmem>>
      %gather3A_791 = tpu.memref_squeeze %gather3A_790 : memref<1x1x32x128xf32, #tpu.memory_space<vmem>> -> memref<32x128xf32, #tpu.memory_space<vmem>>
      %gather3A_792 = tpu.vector_load_idx %gather3A_791[%add3A_5, %broadcast_in_dim3A_778] : memref<32x128xf32, #tpu.memory_space<vmem>>[vector<16xi32>, vector<16xi32>], vector<16xf32>,
      %add3A_793 = arith.constant 3 : i32
      %add3A_794 = arith.addi %mul3A_587, %add3A_793 : i32
      %broadcast_in_dim3A_795 = vector.broadcast %add3A_794 : i32 to vector<16xi32>
      tpu.vector_store_idx %arg7[%iota3A, %broadcast_in_dim3A_795], %gather3A_785 : memref<32x512xf32, #tpu.memory_space<vmem>>[vector<16xi32>, vector<16xi32>], vector<16xf32>,
      tpu.vector_store_idx %arg7[%add3A_5, %broadcast_in_dim3A_795], %gather3A_792 : memref<32x512xf32, #tpu.memory_space<vmem>>[vector<16xi32>, vector<16xi32>], vector<16xf32>,
      %slice3A_796 = vector.extract_strided_slice %and3A_294 {offsets = [4], sizes = [1], strides = [1]} : vector<16xi32> to vector<1xi32>
      %squeeze3A_797 = vector.extract %slice3A_796[0] : i32 from vector<1xi32>
      %broadcast_in_dim3A_798 = vector.broadcast %squeeze3A_797 : i32 to vector<16xi32>
      %gather3A_799 = arith.constant 0 : i32
      %gather3A_800 = arith.constant 4 : i32
      %gather3A_801 = arith.constant 0 : i32
      %gather3A_802 = arith.constant 0 : i32
      %gather3A_803 = tpu.memref_slice %arg6[%gather3A_799, %gather3A_800, %gather3A_801, %gather3A_802] : memref<2x8x32x128xf32, #tpu.memory_space<vmem>> -> memref<1x1x32x128xf32, #tpu.memory_space<vmem>>
      %gather3A_804 = tpu.memref_squeeze %gather3A_803 : memref<1x1x32x128xf32, #tpu.memory_space<vmem>> -> memref<32x128xf32, #tpu.memory_space<vmem>>
      %gather3A_805 = tpu.vector_load_idx %gather3A_804[%iota3A, %broadcast_in_dim3A_798] : memref<32x128xf32, #tpu.memory_space<vmem>>[vector<16xi32>, vector<16xi32>], vector<16xf32>,
      %gather3A_806 = arith.constant 0 : i32
      %gather3A_807 = arith.constant 4 : i32
      %gather3A_808 = arith.constant 0 : i32
      %gather3A_809 = arith.constant 0 : i32
      %gather3A_810 = tpu.memref_slice %arg6[%gather3A_806, %gather3A_807, %gather3A_808, %gather3A_809] : memref<2x8x32x128xf32, #tpu.memory_space<vmem>> -> memref<1x1x32x128xf32, #tpu.memory_space<vmem>>
      %gather3A_811 = tpu.memref_squeeze %gather3A_810 : memref<1x1x32x128xf32, #tpu.memory_space<vmem>> -> memref<32x128xf32, #tpu.memory_space<vmem>>
      %gather3A_812 = tpu.vector_load_idx %gather3A_811[%add3A_5, %broadcast_in_dim3A_798] : memref<32x128xf32, #tpu.memory_space<vmem>>[vector<16xi32>, vector<16xi32>], vector<16xf32>,
      %add3A_813 = arith.constant 4 : i32
      %add3A_814 = arith.addi %mul3A_587, %add3A_813 : i32
      %broadcast_in_dim3A_815 = vector.broadcast %add3A_814 : i32 to vector<16xi32>
      tpu.vector_store_idx %arg7[%iota3A, %broadcast_in_dim3A_815], %gather3A_805 : memref<32x512xf32, #tpu.memory_space<vmem>>[vector<16xi32>, vector<16xi32>], vector<16xf32>,
      tpu.vector_store_idx %arg7[%add3A_5, %broadcast_in_dim3A_815], %gather3A_812 : memref<32x512xf32, #tpu.memory_space<vmem>>[vector<16xi32>, vector<16xi32>], vector<16xf32>,
      %slice3A_816 = vector.extract_strided_slice %and3A_294 {offsets = [5], sizes = [1], strides = [1]} : vector<16xi32> to vector<1xi32>
      %squeeze3A_817 = vector.extract %slice3A_816[0] : i32 from vector<1xi32>
      %broadcast_in_dim3A_818 = vector.broadcast %squeeze3A_817 : i32 to vector<16xi32>
      %gather3A_819 = arith.constant 0 : i32
      %gather3A_820 = arith.constant 5 : i32
      %gather3A_821 = arith.constant 0 : i32
      %gather3A_822 = arith.constant 0 : i32
      %gather3A_823 = tpu.memref_slice %arg6[%gather3A_819, %gather3A_820, %gather3A_821, %gather3A_822] : memref<2x8x32x128xf32, #tpu.memory_space<vmem>> -> memref<1x1x32x128xf32, #tpu.memory_space<vmem>>
      %gather3A_824 = tpu.memref_squeeze %gather3A_823 : memref<1x1x32x128xf32, #tpu.memory_space<vmem>> -> memref<32x128xf32, #tpu.memory_space<vmem>>
      %gather3A_825 = tpu.vector_load_idx %gather3A_824[%iota3A, %broadcast_in_dim3A_818] : memref<32x128xf32, #tpu.memory_space<vmem>>[vector<16xi32>, vector<16xi32>], vector<16xf32>,
      %gather3A_826 = arith.constant 0 : i32
      %gather3A_827 = arith.constant 5 : i32
      %gather3A_828 = arith.constant 0 : i32
      %gather3A_829 = arith.constant 0 : i32
      %gather3A_830 = tpu.memref_slice %arg6[%gather3A_826, %gather3A_827, %gather3A_828, %gather3A_829] : memref<2x8x32x128xf32, #tpu.memory_space<vmem>> -> memref<1x1x32x128xf32, #tpu.memory_space<vmem>>
      %gather3A_831 = tpu.memref_squeeze %gather3A_830 : memref<1x1x32x128xf32, #tpu.memory_space<vmem>> -> memref<32x128xf32, #tpu.memory_space<vmem>>
      %gather3A_832 = tpu.vector_load_idx %gather3A_831[%add3A_5, %broadcast_in_dim3A_818] : memref<32x128xf32, #tpu.memory_space<vmem>>[vector<16xi32>, vector<16xi32>], vector<16xf32>,
      %add3A_833 = arith.constant 5 : i32
      %add3A_834 = arith.addi %mul3A_587, %add3A_833 : i32
      %broadcast_in_dim3A_835 = vector.broadcast %add3A_834 : i32 to vector<16xi32>
      tpu.vector_store_idx %arg7[%iota3A, %broadcast_in_dim3A_835], %gather3A_825 : memref<32x512xf32, #tpu.memory_space<vmem>>[vector<16xi32>, vector<16xi32>], vector<16xf32>,
      tpu.vector_store_idx %arg7[%add3A_5, %broadcast_in_dim3A_835], %gather3A_832 : memref<32x512xf32, #tpu.memory_space<vmem>>[vector<16xi32>, vector<16xi32>], vector<16xf32>,
      %slice3A_836 = vector.extract_strided_slice %and3A_294 {offsets = [6], sizes = [1], strides = [1]} : vector<16xi32> to vector<1xi32>
      %squeeze3A_837 = vector.extract %slice3A_836[0] : i32 from vector<1xi32>
      %broadcast_in_dim3A_838 = vector.broadcast %squeeze3A_837 : i32 to vector<16xi32>
      %gather3A_839 = arith.constant 0 : i32
      %gather3A_840 = arith.constant 6 : i32
      %gather3A_841 = arith.constant 0 : i32
      %gather3A_842 = arith.constant 0 : i32
      %gather3A_843 = tpu.memref_slice %arg6[%gather3A_839, %gather3A_840, %gather3A_841, %gather3A_842] : memref<2x8x32x128xf32, #tpu.memory_space<vmem>> -> memref<1x1x32x128xf32, #tpu.memory_space<vmem>>
      %gather3A_844 = tpu.memref_squeeze %gather3A_843 : memref<1x1x32x128xf32, #tpu.memory_space<vmem>> -> memref<32x128xf32, #tpu.memory_space<vmem>>
      %gather3A_845 = tpu.vector_load_idx %gather3A_844[%iota3A, %broadcast_in_dim3A_838] : memref<32x128xf32, #tpu.memory_space<vmem>>[vector<16xi32>, vector<16xi32>], vector<16xf32>,
      %gather3A_846 = arith.constant 0 : i32
      %gather3A_847 = arith.constant 6 : i32
      %gather3A_848 = arith.constant 0 : i32
      %gather3A_849 = arith.constant 0 : i32
      %gather3A_850 = tpu.memref_slice %arg6[%gather3A_846, %gather3A_847, %gather3A_848, %gather3A_849] : memref<2x8x32x128xf32, #tpu.memory_space<vmem>> -> memref<1x1x32x128xf32, #tpu.memory_space<vmem>>
      %gather3A_851 = tpu.memref_squeeze %gather3A_850 : memref<1x1x32x128xf32, #tpu.memory_space<vmem>> -> memref<32x128xf32, #tpu.memory_space<vmem>>
      %gather3A_852 = tpu.vector_load_idx %gather3A_851[%add3A_5, %broadcast_in_dim3A_838] : memref<32x128xf32, #tpu.memory_space<vmem>>[vector<16xi32>, vector<16xi32>], vector<16xf32>,
      %add3A_853 = arith.constant 6 : i32
      %add3A_854 = arith.addi %mul3A_587, %add3A_853 : i32
      %broadcast_in_dim3A_855 = vector.broadcast %add3A_854 : i32 to vector<16xi32>
      tpu.vector_store_idx %arg7[%iota3A, %broadcast_in_dim3A_855], %gather3A_845 : memref<32x512xf32, #tpu.memory_space<vmem>>[vector<16xi32>, vector<16xi32>], vector<16xf32>,
      tpu.vector_store_idx %arg7[%add3A_5, %broadcast_in_dim3A_855], %gather3A_852 : memref<32x512xf32, #tpu.memory_space<vmem>>[vector<16xi32>, vector<16xi32>], vector<16xf32>,
      %slice3A_856 = vector.extract_strided_slice %and3A_294 {offsets = [7], sizes = [1], strides = [1]} : vector<16xi32> to vector<1xi32>
      %squeeze3A_857 = vector.extract %slice3A_856[0] : i32 from vector<1xi32>
      %broadcast_in_dim3A_858 = vector.broadcast %squeeze3A_857 : i32 to vector<16xi32>
      %gather3A_859 = arith.constant 0 : i32
      %gather3A_860 = arith.constant 7 : i32
      %gather3A_861 = arith.constant 0 : i32
      %gather3A_862 = arith.constant 0 : i32
      %gather3A_863 = tpu.memref_slice %arg6[%gather3A_859, %gather3A_860, %gather3A_861, %gather3A_862] : memref<2x8x32x128xf32, #tpu.memory_space<vmem>> -> memref<1x1x32x128xf32, #tpu.memory_space<vmem>>
      %gather3A_864 = tpu.memref_squeeze %gather3A_863 : memref<1x1x32x128xf32, #tpu.memory_space<vmem>> -> memref<32x128xf32, #tpu.memory_space<vmem>>
      %gather3A_865 = tpu.vector_load_idx %gather3A_864[%iota3A, %broadcast_in_dim3A_858] : memref<32x128xf32, #tpu.memory_space<vmem>>[vector<16xi32>, vector<16xi32>], vector<16xf32>,
      %gather3A_866 = arith.constant 0 : i32
      %gather3A_867 = arith.constant 7 : i32
      %gather3A_868 = arith.constant 0 : i32
      %gather3A_869 = arith.constant 0 : i32
      %gather3A_870 = tpu.memref_slice %arg6[%gather3A_866, %gather3A_867, %gather3A_868, %gather3A_869] : memref<2x8x32x128xf32, #tpu.memory_space<vmem>> -> memref<1x1x32x128xf32, #tpu.memory_space<vmem>>
      %gather3A_871 = tpu.memref_squeeze %gather3A_870 : memref<1x1x32x128xf32, #tpu.memory_space<vmem>> -> memref<32x128xf32, #tpu.memory_space<vmem>>
      %gather3A_872 = tpu.vector_load_idx %gather3A_871[%add3A_5, %broadcast_in_dim3A_858] : memref<32x128xf32, #tpu.memory_space<vmem>>[vector<16xi32>, vector<16xi32>], vector<16xf32>,
      %add3A_873 = arith.constant 7 : i32
      %add3A_874 = arith.addi %mul3A_587, %add3A_873 : i32
      %broadcast_in_dim3A_875 = vector.broadcast %add3A_874 : i32 to vector<16xi32>
      tpu.vector_store_idx %arg7[%iota3A, %broadcast_in_dim3A_875], %gather3A_865 : memref<32x512xf32, #tpu.memory_space<vmem>>[vector<16xi32>, vector<16xi32>], vector<16xf32>,
      tpu.vector_store_idx %arg7[%add3A_5, %broadcast_in_dim3A_875], %gather3A_872 : memref<32x512xf32, #tpu.memory_space<vmem>>[vector<16xi32>, vector<16xi32>], vector<16xf32>,
      scf.yield %and3A_294 : vector<16xi32>
    }
    %scan3A_10 = arith.constant 32 : i32
    %dma_wait3A = arith.constant 1 : i32
    %dma_wait3A_11 = arith.constant 0 : i32
    %dma_wait3A_12 = arith.constant 0 : i32
    %dma_wait3A_13 = arith.constant 0 : i32
    %dma_wait3A_14 = tpu.memref_slice %arg6[%dma_wait3A, %dma_wait3A_11, %dma_wait3A_12, %dma_wait3A_13] : memref<2x8x32x128xf32, #tpu.memory_space<vmem>> -> memref<1x1x32x128xf32, #tpu.memory_space<vmem>>
    %dma_wait3A_15 = tpu.memref_squeeze %dma_wait3A_14 : memref<1x1x32x128xf32, #tpu.memory_space<vmem>> -> memref<32x128xf32, #tpu.memory_space<vmem>>
    %dma_wait3A_16 = arith.constant 0 : i32
    %dma_wait3A_17 = arith.constant 0 : i32
    %dma_wait3A_18 = tpu.memref_slice %arg3[%dma_wait3A_16, %dma_wait3A_17] : memref<32x1000000xf32, #tpu.memory_space<hbm>> -> memref<32x128xf32, #tpu.memory_space<hbm>>
    %dma_wait3A_19 = arith.constant 0 : i32
    %dma_wait3A_20 = arith.constant 0 : i32
    %dma_wait3A_21 = tpu.memref_slice %arg6[%dma_wait3A, %dma_wait3A_11, %dma_wait3A_19, %dma_wait3A_20] : memref<2x8x32x128xf32, #tpu.memory_space<vmem>> -> memref<1x1x32x128xf32, #tpu.memory_space<vmem>>
    %dma_wait3A_22 = tpu.memref_squeeze %dma_wait3A_21 : memref<1x1x32x128xf32, #tpu.memory_space<vmem>> -> memref<32x128xf32, #tpu.memory_space<vmem>>
    %dma_wait3A_23 = arith.constant 0 : i32
    %dma_wait3A_24 = arith.constant 0 : i32
    %dma_wait3A_25 = tpu.memref_slice %arg3[%dma_wait3A_23, %dma_wait3A_24] : memref<32x1000000xf32, #tpu.memory_space<hbm>> -> memref<32x128xf32, #tpu.memory_space<hbm>>
    tpu.wait_dma2 semaphore(%arg9 : memref<!tpu.dma_semaphore, #tpu.memory_space<semaphore_mem>>) src(%dma_wait3A_25 : memref<32x128xf32, #tpu.memory_space<hbm>>) dst(%dma_wait3A_22 : memref<32x128xf32, #tpu.memory_space<vmem>>)
    %dma_wait3A_26 = arith.constant 1 : i32
    %dma_wait3A_27 = arith.constant 1 : i32
    %dma_wait3A_28 = arith.constant 0 : i32
    %dma_wait3A_29 = arith.constant 0 : i32
    %dma_wait3A_30 = tpu.memref_slice %arg6[%dma_wait3A_26, %dma_wait3A_27, %dma_wait3A_28, %dma_wait3A_29] : memref<2x8x32x128xf32, #tpu.memory_space<vmem>> -> memref<1x1x32x128xf32, #tpu.memory_space<vmem>>
    %dma_wait3A_31 = tpu.memref_squeeze %dma_wait3A_30 : memref<1x1x32x128xf32, #tpu.memory_space<vmem>> -> memref<32x128xf32, #tpu.memory_space<vmem>>
    %dma_wait3A_32 = arith.constant 0 : i32
    %dma_wait3A_33 = arith.constant 0 : i32
    %dma_wait3A_34 = tpu.memref_slice %arg3[%dma_wait3A_32, %dma_wait3A_33] : memref<32x1000000xf32, #tpu.memory_space<hbm>> -> memref<32x128xf32, #tpu.memory_space<hbm>>
    %dma_wait3A_35 = arith.constant 0 : i32
    %dma_wait3A_36 = arith.constant 0 : i32
    %dma_wait3A_37 = tpu.memref_slice %arg6[%dma_wait3A_26, %dma_wait3A_27, %dma_wait3A_35, %dma_wait3A_36] : memref<2x8x32x128xf32, #tpu.memory_space<vmem>> -> memref<1x1x32x128xf32, #tpu.memory_space<vmem>>
    %dma_wait3A_38 = tpu.memref_squeeze %dma_wait3A_37 : memref<1x1x32x128xf32, #tpu.memory_space<vmem>> -> memref<32x128xf32, #tpu.memory_space<vmem>>
    %dma_wait3A_39 = arith.constant 0 : i32
    %dma_wait3A_40 = arith.constant 0 : i32
    %dma_wait3A_41 = tpu.memref_slice %arg3[%dma_wait3A_39, %dma_wait3A_40] : memref<32x1000000xf32, #tpu.memory_space<hbm>> -> memref<32x128xf32, #tpu.memory_space<hbm>>
    tpu.wait_dma2 semaphore(%arg9 : memref<!tpu.dma_semaphore, #tpu.memory_space<semaphore_mem>>) src(%dma_wait3A_41 : memref<32x128xf32, #tpu.memory_space<hbm>>) dst(%dma_wait3A_38 : memref<32x128xf32, #tpu.memory_space<vmem>>)
    %dma_wait3A_42 = arith.constant 1 : i32
    %dma_wait3A_43 = arith.constant 2 : i32
    %dma_wait3A_44 = arith.constant 0 : i32
    %dma_wait3A_45 = arith.constant 0 : i32
    %dma_wait3A_46 = tpu.memref_slice %arg6[%dma_wait3A_42, %dma_wait3A_43, %dma_wait3A_44, %dma_wait3A_45] : memref<2x8x32x128xf32, #tpu.memory_space<vmem>> -> memref<1x1x32x128xf32, #tpu.memory_space<vmem>>
    %dma_wait3A_47 = tpu.memref_squeeze %dma_wait3A_46 : memref<1x1x32x128xf32, #tpu.memory_space<vmem>> -> memref<32x128xf32, #tpu.memory_space<vmem>>
    %dma_wait3A_48 = arith.constant 0 : i32
    %dma_wait3A_49 = arith.constant 0 : i32
    %dma_wait3A_50 = tpu.memref_slice %arg3[%dma_wait3A_48, %dma_wait3A_49] : memref<32x1000000xf32, #tpu.memory_space<hbm>> -> memref<32x128xf32, #tpu.memory_space<hbm>>
    %dma_wait3A_51 = arith.constant 0 : i32
    %dma_wait3A_52 = arith.constant 0 : i32
    %dma_wait3A_53 = tpu.memref_slice %arg6[%dma_wait3A_42, %dma_wait3A_43, %dma_wait3A_51, %dma_wait3A_52] : memref<2x8x32x128xf32, #tpu.memory_space<vmem>> -> memref<1x1x32x128xf32, #tpu.memory_space<vmem>>
    %dma_wait3A_54 = tpu.memref_squeeze %dma_wait3A_53 : memref<1x1x32x128xf32, #tpu.memory_space<vmem>> -> memref<32x128xf32, #tpu.memory_space<vmem>>
    %dma_wait3A_55 = arith.constant 0 : i32
    %dma_wait3A_56 = arith.constant 0 : i32
    %dma_wait3A_57 = tpu.memref_slice %arg3[%dma_wait3A_55, %dma_wait3A_56] : memref<32x1000000xf32, #tpu.memory_space<hbm>> -> memref<32x128xf32, #tpu.memory_space<hbm>>
    tpu.wait_dma2 semaphore(%arg9 : memref<!tpu.dma_semaphore, #tpu.memory_space<semaphore_mem>>) src(%dma_wait3A_57 : memref<32x128xf32, #tpu.memory_space<hbm>>) dst(%dma_wait3A_54 : memref<32x128xf32, #tpu.memory_space<vmem>>)
    %dma_wait3A_58 = arith.constant 1 : i32
    %dma_wait3A_59 = arith.constant 3 : i32
    %dma_wait3A_60 = arith.constant 0 : i32
    %dma_wait3A_61 = arith.constant 0 : i32
    %dma_wait3A_62 = tpu.memref_slice %arg6[%dma_wait3A_58, %dma_wait3A_59, %dma_wait3A_60, %dma_wait3A_61] : memref<2x8x32x128xf32, #tpu.memory_space<vmem>> -> memref<1x1x32x128xf32, #tpu.memory_space<vmem>>
    %dma_wait3A_63 = tpu.memref_squeeze %dma_wait3A_62 : memref<1x1x32x128xf32, #tpu.memory_space<vmem>> -> memref<32x128xf32, #tpu.memory_space<vmem>>
    %dma_wait3A_64 = arith.constant 0 : i32
    %dma_wait3A_65 = arith.constant 0 : i32
    %dma_wait3A_66 = tpu.memref_slice %arg3[%dma_wait3A_64, %dma_wait3A_65] : memref<32x1000000xf32, #tpu.memory_space<hbm>> -> memref<32x128xf32, #tpu.memory_space<hbm>>
    %dma_wait3A_67 = arith.constant 0 : i32
    %dma_wait3A_68 = arith.constant 0 : i32
    %dma_wait3A_69 = tpu.memref_slice %arg6[%dma_wait3A_58, %dma_wait3A_59, %dma_wait3A_67, %dma_wait3A_68] : memref<2x8x32x128xf32, #tpu.memory_space<vmem>> -> memref<1x1x32x128xf32, #tpu.memory_space<vmem>>
    %dma_wait3A_70 = tpu.memref_squeeze %dma_wait3A_69 : memref<1x1x32x128xf32, #tpu.memory_space<vmem>> -> memref<32x128xf32, #tpu.memory_space<vmem>>
    %dma_wait3A_71 = arith.constant 0 : i32
    %dma_wait3A_72 = arith.constant 0 : i32
    %dma_wait3A_73 = tpu.memref_slice %arg3[%dma_wait3A_71, %dma_wait3A_72] : memref<32x1000000xf32, #tpu.memory_space<hbm>> -> memref<32x128xf32, #tpu.memory_space<hbm>>
    tpu.wait_dma2 semaphore(%arg9 : memref<!tpu.dma_semaphore, #tpu.memory_space<semaphore_mem>>) src(%dma_wait3A_73 : memref<32x128xf32, #tpu.memory_space<hbm>>) dst(%dma_wait3A_70 : memref<32x128xf32, #tpu.memory_space<vmem>>)
    %dma_wait3A_74 = arith.constant 1 : i32
    %dma_wait3A_75 = arith.constant 4 : i32
    %dma_wait3A_76 = arith.constant 0 : i32
    %dma_wait3A_77 = arith.constant 0 : i32
    %dma_wait3A_78 = tpu.memref_slice %arg6[%dma_wait3A_74, %dma_wait3A_75, %dma_wait3A_76, %dma_wait3A_77] : memref<2x8x32x128xf32, #tpu.memory_space<vmem>> -> memref<1x1x32x128xf32, #tpu.memory_space<vmem>>
    %dma_wait3A_79 = tpu.memref_squeeze %dma_wait3A_78 : memref<1x1x32x128xf32, #tpu.memory_space<vmem>> -> memref<32x128xf32, #tpu.memory_space<vmem>>
    %dma_wait3A_80 = arith.constant 0 : i32
    %dma_wait3A_81 = arith.constant 0 : i32
    %dma_wait3A_82 = tpu.memref_slice %arg3[%dma_wait3A_80, %dma_wait3A_81] : memref<32x1000000xf32, #tpu.memory_space<hbm>> -> memref<32x128xf32, #tpu.memory_space<hbm>>
    %dma_wait3A_83 = arith.constant 0 : i32
    %dma_wait3A_84 = arith.constant 0 : i32
    %dma_wait3A_85 = tpu.memref_slice %arg6[%dma_wait3A_74, %dma_wait3A_75, %dma_wait3A_83, %dma_wait3A_84] : memref<2x8x32x128xf32, #tpu.memory_space<vmem>> -> memref<1x1x32x128xf32, #tpu.memory_space<vmem>>
    %dma_wait3A_86 = tpu.memref_squeeze %dma_wait3A_85 : memref<1x1x32x128xf32, #tpu.memory_space<vmem>> -> memref<32x128xf32, #tpu.memory_space<vmem>>
    %dma_wait3A_87 = arith.constant 0 : i32
    %dma_wait3A_88 = arith.constant 0 : i32
    %dma_wait3A_89 = tpu.memref_slice %arg3[%dma_wait3A_87, %dma_wait3A_88] : memref<32x1000000xf32, #tpu.memory_space<hbm>> -> memref<32x128xf32, #tpu.memory_space<hbm>>
    tpu.wait_dma2 semaphore(%arg9 : memref<!tpu.dma_semaphore, #tpu.memory_space<semaphore_mem>>) src(%dma_wait3A_89 : memref<32x128xf32, #tpu.memory_space<hbm>>) dst(%dma_wait3A_86 : memref<32x128xf32, #tpu.memory_space<vmem>>)
    %dma_wait3A_90 = arith.constant 1 : i32
    %dma_wait3A_91 = arith.constant 5 : i32
    %dma_wait3A_92 = arith.constant 0 : i32
    %dma_wait3A_93 = arith.constant 0 : i32
    %dma_wait3A_94 = tpu.memref_slice %arg6[%dma_wait3A_90, %dma_wait3A_91, %dma_wait3A_92, %dma_wait3A_93] : memref<2x8x32x128xf32, #tpu.memory_space<vmem>> -> memref<1x1x32x128xf32, #tpu.memory_space<vmem>>
    %dma_wait3A_95 = tpu.memref_squeeze %dma_wait3A_94 : memref<1x1x32x128xf32, #tpu.memory_space<vmem>> -> memref<32x128xf32, #tpu.memory_space<vmem>>
    %dma_wait3A_96 = arith.constant 0 : i32
    %dma_wait3A_97 = arith.constant 0 : i32
    %dma_wait3A_98 = tpu.memref_slice %arg3[%dma_wait3A_96, %dma_wait3A_97] : memref<32x1000000xf32, #tpu.memory_space<hbm>> -> memref<32x128xf32, #tpu.memory_space<hbm>>
    %dma_wait3A_99 = arith.constant 0 : i32
    %dma_wait3A_100 = arith.constant 0 : i32
    %dma_wait3A_101 = tpu.memref_slice %arg6[%dma_wait3A_90, %dma_wait3A_91, %dma_wait3A_99, %dma_wait3A_100] : memref<2x8x32x128xf32, #tpu.memory_space<vmem>> -> memref<1x1x32x128xf32, #tpu.memory_space<vmem>>
    %dma_wait3A_102 = tpu.memref_squeeze %dma_wait3A_101 : memref<1x1x32x128xf32, #tpu.memory_space<vmem>> -> memref<32x128xf32, #tpu.memory_space<vmem>>
    %dma_wait3A_103 = arith.constant 0 : i32
    %dma_wait3A_104 = arith.constant 0 : i32
    %dma_wait3A_105 = tpu.memref_slice %arg3[%dma_wait3A_103, %dma_wait3A_104] : memref<32x1000000xf32, #tpu.memory_space<hbm>> -> memref<32x128xf32, #tpu.memory_space<hbm>>
    tpu.wait_dma2 semaphore(%arg9 : memref<!tpu.dma_semaphore, #tpu.memory_space<semaphore_mem>>) src(%dma_wait3A_105 : memref<32x128xf32, #tpu.memory_space<hbm>>) dst(%dma_wait3A_102 : memref<32x128xf32, #tpu.memory_space<vmem>>)
    %dma_wait3A_106 = arith.constant 1 : i32
    %dma_wait3A_107 = arith.constant 6 : i32
    %dma_wait3A_108 = arith.constant 0 : i32
    %dma_wait3A_109 = arith.constant 0 : i32
    %dma_wait3A_110 = tpu.memref_slice %arg6[%dma_wait3A_106, %dma_wait3A_107, %dma_wait3A_108, %dma_wait3A_109] : memref<2x8x32x128xf32, #tpu.memory_space<vmem>> -> memref<1x1x32x128xf32, #tpu.memory_space<vmem>>
    %dma_wait3A_111 = tpu.memref_squeeze %dma_wait3A_110 : memref<1x1x32x128xf32, #tpu.memory_space<vmem>> -> memref<32x128xf32, #tpu.memory_space<vmem>>
    %dma_wait3A_112 = arith.constant 0 : i32
    %dma_wait3A_113 = arith.constant 0 : i32
    %dma_wait3A_114 = tpu.memref_slice %arg3[%dma_wait3A_112, %dma_wait3A_113] : memref<32x1000000xf32, #tpu.memory_space<hbm>> -> memref<32x128xf32, #tpu.memory_space<hbm>>
    %dma_wait3A_115 = arith.constant 0 : i32
    %dma_wait3A_116 = arith.constant 0 : i32
    %dma_wait3A_117 = tpu.memref_slice %arg6[%dma_wait3A_106, %dma_wait3A_107, %dma_wait3A_115, %dma_wait3A_116] : memref<2x8x32x128xf32, #tpu.memory_space<vmem>> -> memref<1x1x32x128xf32, #tpu.memory_space<vmem>>
    %dma_wait3A_118 = tpu.memref_squeeze %dma_wait3A_117 : memref<1x1x32x128xf32, #tpu.memory_space<vmem>> -> memref<32x128xf32, #tpu.memory_space<vmem>>
    %dma_wait3A_119 = arith.constant 0 : i32
    %dma_wait3A_120 = arith.constant 0 : i32
    %dma_wait3A_121 = tpu.memref_slice %arg3[%dma_wait3A_119, %dma_wait3A_120] : memref<32x1000000xf32, #tpu.memory_space<hbm>> -> memref<32x128xf32, #tpu.memory_space<hbm>>
    tpu.wait_dma2 semaphore(%arg9 : memref<!tpu.dma_semaphore, #tpu.memory_space<semaphore_mem>>) src(%dma_wait3A_121 : memref<32x128xf32, #tpu.memory_space<hbm>>) dst(%dma_wait3A_118 : memref<32x128xf32, #tpu.memory_space<vmem>>)
    %dma_wait3A_122 = arith.constant 1 : i32
    %dma_wait3A_123 = arith.constant 7 : i32
    %dma_wait3A_124 = arith.constant 0 : i32
    %dma_wait3A_125 = arith.constant 0 : i32
    %dma_wait3A_126 = tpu.memref_slice %arg6[%dma_wait3A_122, %dma_wait3A_123, %dma_wait3A_124, %dma_wait3A_125] : memref<2x8x32x128xf32, #tpu.memory_space<vmem>> -> memref<1x1x32x128xf32, #tpu.memory_space<vmem>>
    %dma_wait3A_127 = tpu.memref_squeeze %dma_wait3A_126 : memref<1x1x32x128xf32, #tpu.memory_space<vmem>> -> memref<32x128xf32, #tpu.memory_space<vmem>>
    %dma_wait3A_128 = arith.constant 0 : i32
    %dma_wait3A_129 = arith.constant 0 : i32
    %dma_wait3A_130 = tpu.memref_slice %arg3[%dma_wait3A_128, %dma_wait3A_129] : memref<32x1000000xf32, #tpu.memory_space<hbm>> -> memref<32x128xf32, #tpu.memory_space<hbm>>
    %dma_wait3A_131 = arith.constant 0 : i32
    %dma_wait3A_132 = arith.constant 0 : i32
    %dma_wait3A_133 = tpu.memref_slice %arg6[%dma_wait3A_122, %dma_wait3A_123, %dma_wait3A_131, %dma_wait3A_132] : memref<2x8x32x128xf32, #tpu.memory_space<vmem>> -> memref<1x1x32x128xf32, #tpu.memory_space<vmem>>
    %dma_wait3A_134 = tpu.memref_squeeze %dma_wait3A_133 : memref<1x1x32x128xf32, #tpu.memory_space<vmem>> -> memref<32x128xf32, #tpu.memory_space<vmem>>
    %dma_wait3A_135 = arith.constant 0 : i32
    %dma_wait3A_136 = arith.constant 0 : i32
    %dma_wait3A_137 = tpu.memref_slice %arg3[%dma_wait3A_135, %dma_wait3A_136] : memref<32x1000000xf32, #tpu.memory_space<hbm>> -> memref<32x128xf32, #tpu.memory_space<hbm>>
    tpu.wait_dma2 semaphore(%arg9 : memref<!tpu.dma_semaphore, #tpu.memory_space<semaphore_mem>>) src(%dma_wait3A_137 : memref<32x128xf32, #tpu.memory_space<hbm>>) dst(%dma_wait3A_134 : memref<32x128xf32, #tpu.memory_space<vmem>>)
    %slice3A = vector.extract_strided_slice %scan3A_9 {offsets = [8], sizes = [1], strides = [1]} : vector<16xi32> to vector<1xi32>
    %squeeze3A = vector.extract %slice3A[0] : i32 from vector<1xi32>
    %broadcast_in_dim3A = vector.broadcast %squeeze3A : i32 to vector<16xi32>
    %gather3A = arith.constant 1 : i32
    %gather3A_138 = arith.constant 0 : i32
    %gather3A_139 = arith.constant 0 : i32
    %gather3A_140 = arith.constant 0 : i32
    %gather3A_141 = tpu.memref_slice %arg6[%gather3A, %gather3A_138, %gather3A_139, %gather3A_140] : memref<2x8x32x128xf32, #tpu.memory_space<vmem>> -> memref<1x1x32x128xf32, #tpu.memory_space<vmem>>
    %gather3A_142 = tpu.memref_squeeze %gather3A_141 : memref<1x1x32x128xf32, #tpu.memory_space<vmem>> -> memref<32x128xf32, #tpu.memory_space<vmem>>
    %gather3A_143 = tpu.vector_load_idx %gather3A_142[%iota3A, %broadcast_in_dim3A] : memref<32x128xf32, #tpu.memory_space<vmem>>[vector<16xi32>, vector<16xi32>], vector<16xf32>,
    %gather3A_144 = arith.constant 1 : i32
    %gather3A_145 = arith.constant 0 : i32
    %gather3A_146 = arith.constant 0 : i32
    %gather3A_147 = arith.constant 0 : i32
    %gather3A_148 = tpu.memref_slice %arg6[%gather3A_144, %gather3A_145, %gather3A_146, %gather3A_147] : memref<2x8x32x128xf32, #tpu.memory_space<vmem>> -> memref<1x1x32x128xf32, #tpu.memory_space<vmem>>
    %gather3A_149 = tpu.memref_squeeze %gather3A_148 : memref<1x1x32x128xf32, #tpu.memory_space<vmem>> -> memref<32x128xf32, #tpu.memory_space<vmem>>
    %gather3A_150 = tpu.vector_load_idx %gather3A_149[%add3A_5, %broadcast_in_dim3A] : memref<32x128xf32, #tpu.memory_space<vmem>>[vector<16xi32>, vector<16xi32>], vector<16xf32>,
    %broadcast_in_dim3A_151 = arith.constant 504 : i32
    %broadcast_in_dim3A_152 = vector.broadcast %broadcast_in_dim3A_151 : i32 to vector<16xi32>
    tpu.vector_store_idx %arg7[%iota3A, %broadcast_in_dim3A_152], %gather3A_143 : memref<32x512xf32, #tpu.memory_space<vmem>>[vector<16xi32>, vector<16xi32>], vector<16xf32>,
    tpu.vector_store_idx %arg7[%add3A_5, %broadcast_in_dim3A_152], %gather3A_150 : memref<32x512xf32, #tpu.memory_space<vmem>>[vector<16xi32>, vector<16xi32>], vector<16xf32>,
    %slice3A_153 = vector.extract_strided_slice %scan3A_9 {offsets = [9], sizes = [1], strides = [1]} : vector<16xi32> to vector<1xi32>
    %squeeze3A_154 = vector.extract %slice3A_153[0] : i32 from vector<1xi32>
    %broadcast_in_dim3A_155 = vector.broadcast %squeeze3A_154 : i32 to vector<16xi32>
    %gather3A_156 = arith.constant 1 : i32
    %gather3A_157 = arith.constant 1 : i32
    %gather3A_158 = arith.constant 0 : i32
    %gather3A_159 = arith.constant 0 : i32
    %gather3A_160 = tpu.memref_slice %arg6[%gather3A_156, %gather3A_157, %gather3A_158, %gather3A_159] : memref<2x8x32x128xf32, #tpu.memory_space<vmem>> -> memref<1x1x32x128xf32, #tpu.memory_space<vmem>>
    %gather3A_161 = tpu.memref_squeeze %gather3A_160 : memref<1x1x32x128xf32, #tpu.memory_space<vmem>> -> memref<32x128xf32, #tpu.memory_space<vmem>>
    %gather3A_162 = tpu.vector_load_idx %gather3A_161[%iota3A, %broadcast_in_dim3A_155] : memref<32x128xf32, #tpu.memory_space<vmem>>[vector<16xi32>, vector<16xi32>], vector<16xf32>,
    %gather3A_163 = arith.constant 1 : i32
    %gather3A_164 = arith.constant 1 : i32
    %gather3A_165 = arith.constant 0 : i32
    %gather3A_166 = arith.constant 0 : i32
    %gather3A_167 = tpu.memref_slice %arg6[%gather3A_163, %gather3A_164, %gather3A_165, %gather3A_166] : memref<2x8x32x128xf32, #tpu.memory_space<vmem>> -> memref<1x1x32x128xf32, #tpu.memory_space<vmem>>
    %gather3A_168 = tpu.memref_squeeze %gather3A_167 : memref<1x1x32x128xf32, #tpu.memory_space<vmem>> -> memref<32x128xf32, #tpu.memory_space<vmem>>
    %gather3A_169 = tpu.vector_load_idx %gather3A_168[%add3A_5, %broadcast_in_dim3A_155] : memref<32x128xf32, #tpu.memory_space<vmem>>[vector<16xi32>, vector<16xi32>], vector<16xf32>,
    %broadcast_in_dim3A_170 = arith.constant 505 : i32
    %broadcast_in_dim3A_171 = vector.broadcast %broadcast_in_dim3A_170 : i32 to vector<16xi32>
    tpu.vector_store_idx %arg7[%iota3A, %broadcast_in_dim3A_171], %gather3A_162 : memref<32x512xf32, #tpu.memory_space<vmem>>[vector<16xi32>, vector<16xi32>], vector<16xf32>,
    tpu.vector_store_idx %arg7[%add3A_5, %broadcast_in_dim3A_171], %gather3A_169 : memref<32x512xf32, #tpu.memory_space<vmem>>[vector<16xi32>, vector<16xi32>], vector<16xf32>,
    %slice3A_172 = vector.extract_strided_slice %scan3A_9 {offsets = [10], sizes = [1], strides = [1]} : vector<16xi32> to vector<1xi32>
    %squeeze3A_173 = vector.extract %slice3A_172[0] : i32 from vector<1xi32>
    %broadcast_in_dim3A_174 = vector.broadcast %squeeze3A_173 : i32 to vector<16xi32>
    %gather3A_175 = arith.constant 1 : i32
    %gather3A_176 = arith.constant 2 : i32
    %gather3A_177 = arith.constant 0 : i32
    %gather3A_178 = arith.constant 0 : i32
    %gather3A_179 = tpu.memref_slice %arg6[%gather3A_175, %gather3A_176, %gather3A_177, %gather3A_178] : memref<2x8x32x128xf32, #tpu.memory_space<vmem>> -> memref<1x1x32x128xf32, #tpu.memory_space<vmem>>
    %gather3A_180 = tpu.memref_squeeze %gather3A_179 : memref<1x1x32x128xf32, #tpu.memory_space<vmem>> -> memref<32x128xf32, #tpu.memory_space<vmem>>
    %gather3A_181 = tpu.vector_load_idx %gather3A_180[%iota3A, %broadcast_in_dim3A_174] : memref<32x128xf32, #tpu.memory_space<vmem>>[vector<16xi32>, vector<16xi32>], vector<16xf32>,
    %gather3A_182 = arith.constant 1 : i32
    %gather3A_183 = arith.constant 2 : i32
    %gather3A_184 = arith.constant 0 : i32
    %gather3A_185 = arith.constant 0 : i32
    %gather3A_186 = tpu.memref_slice %arg6[%gather3A_182, %gather3A_183, %gather3A_184, %gather3A_185] : memref<2x8x32x128xf32, #tpu.memory_space<vmem>> -> memref<1x1x32x128xf32, #tpu.memory_space<vmem>>
    %gather3A_187 = tpu.memref_squeeze %gather3A_186 : memref<1x1x32x128xf32, #tpu.memory_space<vmem>> -> memref<32x128xf32, #tpu.memory_space<vmem>>
    %gather3A_188 = tpu.vector_load_idx %gather3A_187[%add3A_5, %broadcast_in_dim3A_174] : memref<32x128xf32, #tpu.memory_space<vmem>>[vector<16xi32>, vector<16xi32>], vector<16xf32>,
    %broadcast_in_dim3A_189 = arith.constant 506 : i32
    %broadcast_in_dim3A_190 = vector.broadcast %broadcast_in_dim3A_189 : i32 to vector<16xi32>
    tpu.vector_store_idx %arg7[%iota3A, %broadcast_in_dim3A_190], %gather3A_181 : memref<32x512xf32, #tpu.memory_space<vmem>>[vector<16xi32>, vector<16xi32>], vector<16xf32>,
    tpu.vector_store_idx %arg7[%add3A_5, %broadcast_in_dim3A_190], %gather3A_188 : memref<32x512xf32, #tpu.memory_space<vmem>>[vector<16xi32>, vector<16xi32>], vector<16xf32>,
    %slice3A_191 = vector.extract_strided_slice %scan3A_9 {offsets = [11], sizes = [1], strides = [1]} : vector<16xi32> to vector<1xi32>
    %squeeze3A_192 = vector.extract %slice3A_191[0] : i32 from vector<1xi32>
    %broadcast_in_dim3A_193 = vector.broadcast %squeeze3A_192 : i32 to vector<16xi32>
    %gather3A_194 = arith.constant 1 : i32
    %gather3A_195 = arith.constant 3 : i32
    %gather3A_196 = arith.constant 0 : i32
    %gather3A_197 = arith.constant 0 : i32
    %gather3A_198 = tpu.memref_slice %arg6[%gather3A_194, %gather3A_195, %gather3A_196, %gather3A_197] : memref<2x8x32x128xf32, #tpu.memory_space<vmem>> -> memref<1x1x32x128xf32, #tpu.memory_space<vmem>>
    %gather3A_199 = tpu.memref_squeeze %gather3A_198 : memref<1x1x32x128xf32, #tpu.memory_space<vmem>> -> memref<32x128xf32, #tpu.memory_space<vmem>>
    %gather3A_200 = tpu.vector_load_idx %gather3A_199[%iota3A, %broadcast_in_dim3A_193] : memref<32x128xf32, #tpu.memory_space<vmem>>[vector<16xi32>, vector<16xi32>], vector<16xf32>,
    %gather3A_201 = arith.constant 1 : i32
    %gather3A_202 = arith.constant 3 : i32
    %gather3A_203 = arith.constant 0 : i32
    %gather3A_204 = arith.constant 0 : i32
    %gather3A_205 = tpu.memref_slice %arg6[%gather3A_201, %gather3A_202, %gather3A_203, %gather3A_204] : memref<2x8x32x128xf32, #tpu.memory_space<vmem>> -> memref<1x1x32x128xf32, #tpu.memory_space<vmem>>
    %gather3A_206 = tpu.memref_squeeze %gather3A_205 : memref<1x1x32x128xf32, #tpu.memory_space<vmem>> -> memref<32x128xf32, #tpu.memory_space<vmem>>
    %gather3A_207 = tpu.vector_load_idx %gather3A_206[%add3A_5, %broadcast_in_dim3A_193] : memref<32x128xf32, #tpu.memory_space<vmem>>[vector<16xi32>, vector<16xi32>], vector<16xf32>,
    %broadcast_in_dim3A_208 = arith.constant 507 : i32
    %broadcast_in_dim3A_209 = vector.broadcast %broadcast_in_dim3A_208 : i32 to vector<16xi32>
    tpu.vector_store_idx %arg7[%iota3A, %broadcast_in_dim3A_209], %gather3A_200 : memref<32x512xf32, #tpu.memory_space<vmem>>[vector<16xi32>, vector<16xi32>], vector<16xf32>,
    tpu.vector_store_idx %arg7[%add3A_5, %broadcast_in_dim3A_209], %gather3A_207 : memref<32x512xf32, #tpu.memory_space<vmem>>[vector<16xi32>, vector<16xi32>], vector<16xf32>,
    %slice3A_210 = vector.extract_strided_slice %scan3A_9 {offsets = [12], sizes = [1], strides = [1]} : vector<16xi32> to vector<1xi32>
    %squeeze3A_211 = vector.extract %slice3A_210[0] : i32 from vector<1xi32>
    %broadcast_in_dim3A_212 = vector.broadcast %squeeze3A_211 : i32 to vector<16xi32>
    %gather3A_213 = arith.constant 1 : i32
    %gather3A_214 = arith.constant 4 : i32
    %gather3A_215 = arith.constant 0 : i32
    %gather3A_216 = arith.constant 0 : i32
    %gather3A_217 = tpu.memref_slice %arg6[%gather3A_213, %gather3A_214, %gather3A_215, %gather3A_216] : memref<2x8x32x128xf32, #tpu.memory_space<vmem>> -> memref<1x1x32x128xf32, #tpu.memory_space<vmem>>
    %gather3A_218 = tpu.memref_squeeze %gather3A_217 : memref<1x1x32x128xf32, #tpu.memory_space<vmem>> -> memref<32x128xf32, #tpu.memory_space<vmem>>
    %gather3A_219 = tpu.vector_load_idx %gather3A_218[%iota3A, %broadcast_in_dim3A_212] : memref<32x128xf32, #tpu.memory_space<vmem>>[vector<16xi32>, vector<16xi32>], vector<16xf32>,
    %gather3A_220 = arith.constant 1 : i32
    %gather3A_221 = arith.constant 4 : i32
    %gather3A_222 = arith.constant 0 : i32
    %gather3A_223 = arith.constant 0 : i32
    %gather3A_224 = tpu.memref_slice %arg6[%gather3A_220, %gather3A_221, %gather3A_222, %gather3A_223] : memref<2x8x32x128xf32, #tpu.memory_space<vmem>> -> memref<1x1x32x128xf32, #tpu.memory_space<vmem>>
    %gather3A_225 = tpu.memref_squeeze %gather3A_224 : memref<1x1x32x128xf32, #tpu.memory_space<vmem>> -> memref<32x128xf32, #tpu.memory_space<vmem>>
    %gather3A_226 = tpu.vector_load_idx %gather3A_225[%add3A_5, %broadcast_in_dim3A_212] : memref<32x128xf32, #tpu.memory_space<vmem>>[vector<16xi32>, vector<16xi32>], vector<16xf32>,
    %broadcast_in_dim3A_227 = arith.constant 508 : i32
    %broadcast_in_dim3A_228 = vector.broadcast %broadcast_in_dim3A_227 : i32 to vector<16xi32>
    tpu.vector_store_idx %arg7[%iota3A, %broadcast_in_dim3A_228], %gather3A_219 : memref<32x512xf32, #tpu.memory_space<vmem>>[vector<16xi32>, vector<16xi32>], vector<16xf32>,
    tpu.vector_store_idx %arg7[%add3A_5, %broadcast_in_dim3A_228], %gather3A_226 : memref<32x512xf32, #tpu.memory_space<vmem>>[vector<16xi32>, vector<16xi32>], vector<16xf32>,
    %slice3A_229 = vector.extract_strided_slice %scan3A_9 {offsets = [13], sizes = [1], strides = [1]} : vector<16xi32> to vector<1xi32>
    %squeeze3A_230 = vector.extract %slice3A_229[0] : i32 from vector<1xi32>
    %broadcast_in_dim3A_231 = vector.broadcast %squeeze3A_230 : i32 to vector<16xi32>
    %gather3A_232 = arith.constant 1 : i32
    %gather3A_233 = arith.constant 5 : i32
    %gather3A_234 = arith.constant 0 : i32
    %gather3A_235 = arith.constant 0 : i32
    %gather3A_236 = tpu.memref_slice %arg6[%gather3A_232, %gather3A_233, %gather3A_234, %gather3A_235] : memref<2x8x32x128xf32, #tpu.memory_space<vmem>> -> memref<1x1x32x128xf32, #tpu.memory_space<vmem>>
    %gather3A_237 = tpu.memref_squeeze %gather3A_236 : memref<1x1x32x128xf32, #tpu.memory_space<vmem>> -> memref<32x128xf32, #tpu.memory_space<vmem>>
    %gather3A_238 = tpu.vector_load_idx %gather3A_237[%iota3A, %broadcast_in_dim3A_231] : memref<32x128xf32, #tpu.memory_space<vmem>>[vector<16xi32>, vector<16xi32>], vector<16xf32>,
    %gather3A_239 = arith.constant 1 : i32
    %gather3A_240 = arith.constant 5 : i32
    %gather3A_241 = arith.constant 0 : i32
    %gather3A_242 = arith.constant 0 : i32
    %gather3A_243 = tpu.memref_slice %arg6[%gather3A_239, %gather3A_240, %gather3A_241, %gather3A_242] : memref<2x8x32x128xf32, #tpu.memory_space<vmem>> -> memref<1x1x32x128xf32, #tpu.memory_space<vmem>>
    %gather3A_244 = tpu.memref_squeeze %gather3A_243 : memref<1x1x32x128xf32, #tpu.memory_space<vmem>> -> memref<32x128xf32, #tpu.memory_space<vmem>>
    %gather3A_245 = tpu.vector_load_idx %gather3A_244[%add3A_5, %broadcast_in_dim3A_231] : memref<32x128xf32, #tpu.memory_space<vmem>>[vector<16xi32>, vector<16xi32>], vector<16xf32>,
    %broadcast_in_dim3A_246 = arith.constant 509 : i32
    %broadcast_in_dim3A_247 = vector.broadcast %broadcast_in_dim3A_246 : i32 to vector<16xi32>
    tpu.vector_store_idx %arg7[%iota3A, %broadcast_in_dim3A_247], %gather3A_238 : memref<32x512xf32, #tpu.memory_space<vmem>>[vector<16xi32>, vector<16xi32>], vector<16xf32>,
    tpu.vector_store_idx %arg7[%add3A_5, %broadcast_in_dim3A_247], %gather3A_245 : memref<32x512xf32, #tpu.memory_space<vmem>>[vector<16xi32>, vector<16xi32>], vector<16xf32>,
    %slice3A_248 = vector.extract_strided_slice %scan3A_9 {offsets = [14], sizes = [1], strides = [1]} : vector<16xi32> to vector<1xi32>
    %squeeze3A_249 = vector.extract %slice3A_248[0] : i32 from vector<1xi32>
    %broadcast_in_dim3A_250 = vector.broadcast %squeeze3A_249 : i32 to vector<16xi32>
    %gather3A_251 = arith.constant 1 : i32
    %gather3A_252 = arith.constant 6 : i32
    %gather3A_253 = arith.constant 0 : i32
    %gather3A_254 = arith.constant 0 : i32
    %gather3A_255 = tpu.memref_slice %arg6[%gather3A_251, %gather3A_252, %gather3A_253, %gather3A_254] : memref<2x8x32x128xf32, #tpu.memory_space<vmem>> -> memref<1x1x32x128xf32, #tpu.memory_space<vmem>>
    %gather3A_256 = tpu.memref_squeeze %gather3A_255 : memref<1x1x32x128xf32, #tpu.memory_space<vmem>> -> memref<32x128xf32, #tpu.memory_space<vmem>>
    %gather3A_257 = tpu.vector_load_idx %gather3A_256[%iota3A, %broadcast_in_dim3A_250] : memref<32x128xf32, #tpu.memory_space<vmem>>[vector<16xi32>, vector<16xi32>], vector<16xf32>,
    %gather3A_258 = arith.constant 1 : i32
    %gather3A_259 = arith.constant 6 : i32
    %gather3A_260 = arith.constant 0 : i32
    %gather3A_261 = arith.constant 0 : i32
    %gather3A_262 = tpu.memref_slice %arg6[%gather3A_258, %gather3A_259, %gather3A_260, %gather3A_261] : memref<2x8x32x128xf32, #tpu.memory_space<vmem>> -> memref<1x1x32x128xf32, #tpu.memory_space<vmem>>
    %gather3A_263 = tpu.memref_squeeze %gather3A_262 : memref<1x1x32x128xf32, #tpu.memory_space<vmem>> -> memref<32x128xf32, #tpu.memory_space<vmem>>
    %gather3A_264 = tpu.vector_load_idx %gather3A_263[%add3A_5, %broadcast_in_dim3A_250] : memref<32x128xf32, #tpu.memory_space<vmem>>[vector<16xi32>, vector<16xi32>], vector<16xf32>,
    %broadcast_in_dim3A_265 = arith.constant 510 : i32
    %broadcast_in_dim3A_266 = vector.broadcast %broadcast_in_dim3A_265 : i32 to vector<16xi32>
    tpu.vector_store_idx %arg7[%iota3A, %broadcast_in_dim3A_266], %gather3A_257 : memref<32x512xf32, #tpu.memory_space<vmem>>[vector<16xi32>, vector<16xi32>], vector<16xf32>,
    tpu.vector_store_idx %arg7[%add3A_5, %broadcast_in_dim3A_266], %gather3A_264 : memref<32x512xf32, #tpu.memory_space<vmem>>[vector<16xi32>, vector<16xi32>], vector<16xf32>,
    %slice3A_267 = vector.extract_strided_slice %scan3A_9 {offsets = [15], sizes = [1], strides = [1]} : vector<16xi32> to vector<1xi32>
    %squeeze3A_268 = vector.extract %slice3A_267[0] : i32 from vector<1xi32>
    %broadcast_in_dim3A_269 = vector.broadcast %squeeze3A_268 : i32 to vector<16xi32>
    %gather3A_270 = arith.constant 1 : i32
    %gather3A_271 = arith.constant 7 : i32
    %gather3A_272 = arith.constant 0 : i32
    %gather3A_273 = arith.constant 0 : i32
    %gather3A_274 = tpu.memref_slice %arg6[%gather3A_270, %gather3A_271, %gather3A_272, %gather3A_273] : memref<2x8x32x128xf32, #tpu.memory_space<vmem>> -> memref<1x1x32x128xf32, #tpu.memory_space<vmem>>
    %gather3A_275 = tpu.memref_squeeze %gather3A_274 : memref<1x1x32x128xf32, #tpu.memory_space<vmem>> -> memref<32x128xf32, #tpu.memory_space<vmem>>
    %gather3A_276 = tpu.vector_load_idx %gather3A_275[%iota3A, %broadcast_in_dim3A_269] : memref<32x128xf32, #tpu.memory_space<vmem>>[vector<16xi32>, vector<16xi32>], vector<16xf32>,
    %gather3A_277 = arith.constant 1 : i32
    %gather3A_278 = arith.constant 7 : i32
    %gather3A_279 = arith.constant 0 : i32
    %gather3A_280 = arith.constant 0 : i32
    %gather3A_281 = tpu.memref_slice %arg6[%gather3A_277, %gather3A_278, %gather3A_279, %gather3A_280] : memref<2x8x32x128xf32, #tpu.memory_space<vmem>> -> memref<1x1x32x128xf32, #tpu.memory_space<vmem>>
    %gather3A_282 = tpu.memref_squeeze %gather3A_281 : memref<1x1x32x128xf32, #tpu.memory_space<vmem>> -> memref<32x128xf32, #tpu.memory_space<vmem>>
    %gather3A_283 = tpu.vector_load_idx %gather3A_282[%add3A_5, %broadcast_in_dim3A_269] : memref<32x128xf32, #tpu.memory_space<vmem>>[vector<16xi32>, vector<16xi32>], vector<16xf32>,
    %broadcast_in_dim3A_284 = arith.constant 511 : i32
    %broadcast_in_dim3A_285 = vector.broadcast %broadcast_in_dim3A_284 : i32 to vector<16xi32>
    tpu.vector_store_idx %arg7[%iota3A, %broadcast_in_dim3A_285], %gather3A_276 : memref<32x512xf32, #tpu.memory_space<vmem>>[vector<16xi32>, vector<16xi32>], vector<16xf32>,
    tpu.vector_store_idx %arg7[%add3A_5, %broadcast_in_dim3A_285], %gather3A_283 : memref<32x512xf32, #tpu.memory_space<vmem>>[vector<16xi32>, vector<16xi32>], vector<16xf32>,
    "tpu.region"() ({
      %run_scoped3A = tpu.sem_alloc : memref<!tpu.dma_semaphore, #tpu.memory_space<semaphore_mem>>
      %dma_start3A = arith.constant 0 : i32
      %dma_start3A_286 = tpu.memref_slice %arg4[%dma_start3A, %mul3A_2] : memref<32x16384xf32, #tpu.memory_space<hbm>> -> memref<32x512xf32, #tpu.memory_space<hbm>>
      %dma_start3A_287 = arith.constant 0 : i32
      %dma_start3A_288 = tpu.memref_slice %arg4[%dma_start3A_287, %mul3A_2] : memref<32x16384xf32, #tpu.memory_space<hbm>> -> memref<32x512xf32, #tpu.memory_space<hbm>>
      tpu.enqueue_dma source(%arg7 : memref<32x512xf32, #tpu.memory_space<vmem>>) target(%dma_start3A_288 : memref<32x512xf32, #tpu.memory_space<hbm>>) target_semaphore(%run_scoped3A : memref<!tpu.dma_semaphore, #tpu.memory_space<semaphore_mem>>)
      %dma_wait3A_289 = arith.constant 0 : i32
      %dma_wait3A_290 = tpu.memref_slice %arg4[%dma_wait3A_289, %mul3A_2] : memref<32x16384xf32, #tpu.memory_space<hbm>> -> memref<32x512xf32, #tpu.memory_space<hbm>>
      %dma_wait3A_291 = arith.constant 0 : i32
      %dma_wait3A_292 = tpu.memref_slice %arg4[%dma_wait3A_291, %mul3A_2] : memref<32x16384xf32, #tpu.memory_space<hbm>> -> memref<32x512xf32, #tpu.memory_space<hbm>>
      tpu.wait_dma2 semaphore(%run_scoped3A : memref<!tpu.dma_semaphore, #tpu.memory_space<semaphore_mem>>) src(%arg7 : memref<32x512xf32, #tpu.memory_space<vmem>>) dst(%dma_wait3A_292 : memref<32x512xf32, #tpu.memory_space<hbm>>)
      tpu.yield
    }) : () -> ()
    return
  }
}

</mosaic_0001>

<sc_bundles>
// kernel: kernel.3.cloned.1.call-start
scs
__scs_entry_jumppad:
0x0: {  	(pc) =	sbr.rel $0x88, $3  }
0x1: {  	(tag) =	ssettag $0x0;
	lr =	simm.s32 $0x1  }
0x2: {  	[smem:$0x3F9F] =	sst lr;
	_ =	strace $0xD0000000  }
0x3: {  	_ = 	snop  }
0x4: {  	_ = 	snop  }
0x5: {  	_ = 	snop  }
0x6: {  	_ = 	snop  }
0x7: {  	_ = 	snop  }
__scs_overlays_trampoline_lowered:
0x8: {  	[smem:$0x3FAE] =	sst s0  }
0x9: {  	[smem:$0x3FAF] =	sst s1  }
0xa: {  	[smem:$0x3FB0] =	sst s2  }
0xb: {  	[smem:$0x3FB1] =	sst s3  }
0xc: {  	[smem:$0x3FB2] =	sst s4  }
0xd: {  	[smem:$0x3FB3] =	sst s5  }
0xe: {  	[smem:$0x3FB4] =	sst s6  }
0xf: {  	[smem:$0x3FB5] =	sst s7  }
0x10: {  	[smem:$0x3FB6] =	sst s8  }
0x11: {  	[smem:$0x3FB7] =	sst s9;
	s0 =	simm.s32 @!p0 $0x0  }
0x12: {  	s1 =	sld [smem:$0x3F9D];
	s0 =	simm.s32 @p0 $0x1  }
0x13: {  	[smem:$0x3FB8] =	sst s0;
	s0 =	simm.s32 @!p1 $0x0  }
0x14: {  	s2 =	sld [smem:$0x3F9C];
	s0 =	simm.s32 @p1 $0x1  }
0x15: {  	[smem:$0x3FB9] =	sst s0;
	s0 =	simm.s32 @!p2 $0x0  }
0x16: {  	s3 =	sld [smem:$0x3FDB];
	s0 =	simm.s32 @p2 $0x1  }
0x17: {  	s4 =	simm.s32 $0x1BF5;
	[smem:$0x3FBB] =	sst s0  }
0x18: {  	s0 =	sld [smem:$0x3F9E];
	_ =	swait.ge [sflag:s4], $0x0  }
0x19: {  	s7 =	sld [smem:$0x3F9F]  }
0x1a: {  	s8 =	sadd.s32 $0xFFFFE003, lr  }
0x1b: {  	s9 =	sadd.s32 $0xFFFFFEF7, lr;
	s5 =	simm.s32 $0xFFFFFFFF;
	p2 =	slt.u32 s8, $0xFFFFF086  }
0x1c: {  	p1 =	slt.u32 s9, $0xF7A;
	s5 =	simm.s32 @!p2 $0x0  }
0x1d: {  	s5 =	simm.s32 @p1 $0x1;
	p0 =	seq.s32 s7, s2  }
0x1e: {  	s7 =	smul.u32 @!p0 $0xF7A, s2;
	p2 =	seq.s32 @!p0 s5, $0x0  }
0x1f: {  	s9 =	smul.u32 $0xF7A, s1;
	s8 =	simm.s32 @!p0 $0x1BF5;
	p2 =	por !p2, p0  }
0x20: {  	[sflag:s8] =	ssyncset.s32 @!p0 $0xFFFFF086;
	s6 =	sadd.s32 @!p0 s3, s7;
	s7 =	simm.s32 @!p0 $0x108  }
0x21: {  	s3 =	sadd.s32 s3, s9;
	s6 =	sadd.s32 @!p0 $0x88, s6;
	s7 =	simm.s32 @p2 $0x1082  }
0x22: {  	[simem:s7], [sflag:s8] =	dma.local @!p0 [hbm:s6], $0xF7A  }
0x23: {  	s9 =	sor.u32 $0xD0000000, s2;
	s6 =	simm.s32 $0x108;
	_ =	swait.ge @!p0 [sflag:s8], $0x0  }
0x24: {  	s3 =	sadd.s32 $0x88, s3;
	s6 =	simm.s32 @!p1 $0x1082;
	[sflag:s4] =	ssyncset.s32 $0xFFFFF086  }
0x25: {  	[simem:s6], [sflag:s4] =	dma.local [hbm:s3], $0xF7A  }
0x26: {  	[smem:$0x3F9F] =	sst s1;
	(tag) =	ssettag s2;
	_ =	strace s9  }
0x27: {  	s1 =	sld [smem:$0x3FAF]  }
0x28: {  	s2 =	sld [smem:$0x3FB0]  }
0x29: {  	s4 =	sld [smem:$0x3FB2]  }
0x2a: {  	p0 =	seq.s32 s5, $0x0;
	s5 =	sld [smem:$0x3FB3]  }
0x2b: {  	s6 =	sld [smem:$0x3FB4]  }
0x2c: {  	s7 =	sld [smem:$0x3FB5]  }
0x2d: {  	s3 =	simm.s32 $0x108;
	s8 =	sld [smem:$0x3FB6]  }
0x2e: {  	s3 =	simm.s32 @!p0 $0x1082;
	s9 =	sld [smem:$0x3FB7]  }
0x2f: {  	lr =	sadd.s32 s0, s3;
	s0 =	sld [smem:$0x3FAE]  }
0x30: {  	s3 =	sld [smem:$0x3FB1]  }
0x31: {  	[smem:$0x3FBA] =	sst s10  }
0x32: {  	s10 =	sld [smem:$0x3FB8];
	_ =	sdelay $0x3  }
0x33: {  	p0 =	seq.s32 s10, $0x1;
	s10 =	sld [smem:$0x3FBA];
	_ =	sdelay $0x3  }
0x34: {  	[smem:$0x3FBA] =	sst s10  }
0x35: {  	s10 =	sld [smem:$0x3FB9];
	_ =	sdelay $0x3  }
0x36: {  	p1 =	seq.s32 s10, $0x1;
	s10 =	sld [smem:$0x3FBA];
	_ =	sdelay $0x3  }
0x37: {  	[smem:$0x3FBA] =	sst s10  }
0x38: {  	s10 =	sld [smem:$0x3FBB]  }
0x39: {  	_ = 	snop;
	(pc) =	sbr.ind lr, $3  }
0x3a: {  	_ = 	snop  }
0x3b: {  	_ = 	snop  }
0x3c: {  	p2 =	seq.s32 s10, $0x1;
	s10 =	sld [smem:$0x3FBA]  }
0x3d: {  	_ =	shalt  }
0x3e: {  	_ =	shalt  }
0x3f: {  	_ =	shalt  }
0x40: {  	_ =	shalt  }
0x41: {  	_ =	shalt  }
0x42: {  	_ =	shalt  }
0x43: {  	_ =	shalt  }
0x44: {  	_ =	shalt  }
0x45: {  	_ =	shalt  }
0x46: {  	_ =	shalt  }
0x47: {  	_ =	shalt  }
0x48: {  	_ =	shalt  }
0x49: {  	_ =	shalt  }
0x4a: {  	_ =	shalt  }
0x4b: {  	_ =	shalt  }
0x4c: {  	_ =	shalt  }
0x4d: {  	_ =	shalt  }
0x4e: {  	_ =	shalt  }
0x4f: {  	_ =	shalt  }
0x50: {  	_ =	shalt  }
0x51: {  	_ =	shalt  }
0x52: {  	_ =	shalt  }
0x53: {  	_ =	shalt  }
0x54: {  	_ =	shalt  }
0x55: {  	_ =	shalt  }
0x56: {  	_ =	shalt  }
0x57: {  	_ =	shalt  }
0x58: {  	_ =	shalt  }
0x59: {  	_ =	shalt  }
0x5a: {  	_ =	shalt  }
0x5b: {  	_ =	shalt  }
0x5c: {  	_ =	shalt  }
0x5d: {  	_ =	shalt  }
0x5e: {  	_ =	shalt  }
0x5f: {  	_ =	shalt  }
0x60: {  	_ =	shalt  }
0x61: {  	_ =	shalt  }
0x62: {  	_ =	shalt  }
0x63: {  	_ =	shalt  }
0x64: {  	_ =	shalt  }
0x65: {  	_ =	shalt  }
0x66: {  	_ =	shalt  }
0x67: {  	_ =	shalt  }
0x68: {  	_ =	shalt  }
0x69: {  	_ =	shalt  }
0x6a: {  	_ =	shalt  }
0x6b: {  	_ =	shalt  }
0x6c: {  	_ =	shalt  }
0x6d: {  	_ =	shalt  }
0x6e: {  	_ =	shalt  }
0x6f: {  	_ =	shalt  }
0x70: {  	_ =	shalt  }
0x71: {  	_ =	shalt  }
0x72: {  	_ =	shalt  }
0x73: {  	_ =	shalt  }
0x74: {  	_ =	shalt  }
0x75: {  	_ =	shalt  }
0x76: {  	_ =	shalt  }
0x77: {  	_ =	shalt  }
0x78: {  	_ =	shalt  }
0x79: {  	_ =	shalt  }
0x7a: {  	_ =	shalt  }
0x7b: {  	_ =	shalt  }
0x7c: {  	_ =	shalt  }
0x7d: {  	_ =	shalt  }
0x7e: {  	_ =	shalt  }
0x7f: {  	_ =	shalt  }
0x80: {  	_ =	shalt  }
0x81: {  	_ =	shalt  }
0x82: {  	_ =	shalt  }
0x83: {  	_ =	shalt  }
0x84: {  	_ =	shalt  }
0x85: {  	_ =	shalt  }
0x86: {  	_ =	shalt  }
0x87: {  	_ =	shalt  }
.Lfunc_end0:
.L_simem_size_0:
called_computation_lowered:
.L_overlay_start_0:
0x88: {  	s2 =	sld [smem:$0x3FD9]  }
0x89: {  	s3 =	sld [smem:$0x3FFE];
	_ =	sdelay $0x1  }
0x8a: {  	s1 =	srdreg.scid  }
0x8b: {  	s0 =	sand.u32 $0x1, s1  }
0x8c: {  	s18 =	sshll.u32 s0, $0xA;
	s2 =	sadd.s32 s3, s2  }
0x8d: {  	s2 =	sadd.s32 s2, s18  }
0x8e: {  	[smem:$0x3FC6] =	sst s2  }
0x8f: {  	_ = 	snop  }
0x90: {  	s2 =	sld [smem:$0x3FC9]  }
0x91: {  	s19 =	sld [smem:$0x3FC8]  }
0x92: {  	s4 =	sld [smem:$0x3FD0];
	(tm) =	ssettm $0x1  }
0x93: {  	s5 =	sld [smem:$0x3FFB];
	_ =	sdelay $0x3  }
0x94: {  	_ =	strace s5  }
0x95: {  	s5 =	sld [smem:$0x3FFC];
	_ =	sdelay $0x3  }
0x96: {  	_ =	strace s5  }
0x97: {  	s5 =	sld [smem:$0x3FFD];
	_ =	sdelay $0x3  }
0x98: {  	_ =	strace s5  }
0x99: {  	_ =	strace $0x8FFFFFFF  }
0x9a: {  	s20 =	sld [smem:$0x3FDB];
	_ =	sdelay $0x1  }
0x9b: {  	s6 =	simm.s32 $_scs_section_size  }
0x9c: {  	s7 =	simm.s32 $_size__tile_overlayer_lowered;
	s8 =	simm.s32 $_tile_overlayer_lowered  }
0x9d: {  	s23 =	simm.s32 $0x1BFF;
	s22 =	sshll.u32 s8, $0x1;
	s5 =	sadd.s32 s6, s20  }
0x9e: {  	s9 =	simm.s32 $0x0;
	s21 =	sshll.u32 s7, $0x1;
	s7 =	sadd.s32 s22, s5  }
0x9f: {  	[timem:s9], [sflag:s23] =	dma.local [hbm:s7], s21  }
0xa0: {  	_ =	swait.ge [sflag:s23], s21  }
0xa1: {  	s6 =	ssub.s32 $0x0, s21;
	[sflag:s23] =	ssyncset.done $0x0  }
0xa2: {  	[sflag:s23] =	ssyncadd.s32 s6;
	_ =	sdelay $0x1  }
0xa3: {  	s24 =	simm.s32 $0x1B8B  }
0xa4: {  	_ =	swait.ge [sflag:s24], $0x1  }
0xa5: {  	[sflag:s24] =	ssyncset.done $0x0  }
0xa6: {  	s25 =	simm.s32 $0x1B8E;
	[sflag:s24] =	ssyncadd.s32 $0xFFFFFFFF  }
0xa7: {  	s26 =	simm.s32 $execute0_lowered;
	[smem:$0x3FD2] =	sst s25  }
0xa8: {  	s6 =	sshll.u32 s26, $0x1;
	_ =	strace $0x80000046;
	[dreg:$0x1] =	wrdreg $0xFFFFFFFF  }
0xa9: {  	s28 =	simm.s32 $_size_execute0_lowered;
	s5 =	sadd.s32 s5, s6;
	[dreg:$0x0] =	wrdreg $0x0  }
0xaa: {  	s6 =	sshll.u32 s28, $0x1;
	[dreg:$0x2] =	wrdreg s5  }
0xab: {  	[dreg:$0x3] =	wrdreg s6  }
0xac: {  	[dreg:$0x4] =	wrdreg $0xC0  }
0xad: {  	_ =	task [dreg:s9], $0x5FFFF  }
0xae: {  	[dreg:$0x1] =	wrdreg $0xFFFFFFFF  }
0xaf: {  	[dreg:$0x0] =	wrdreg $0x60  }
0xb0: {  	[dreg:$0x2] =	wrdreg s2  }
0xb1: {  	[dreg:$0x3] =	wrdreg s19  }
0xb2: {  	[dreg:$0x4] =	wrdreg s4  }
0xb3: {  	[dreg:$0x5] =	wrdreg $0x9  }
0xb4: {  	_ =	task.clear_ibuf [dreg:s9], $0x6FFFF;
	_ =	strace $0x90000046  }
0xb5: {  	s29 =	simm.s32 $0x9;
	_ =	strace $0x80000048  }
0xb6: {  	_ =	swait.ge [sflag:s29], $0x1  }
0xb7: {  	[sflag:s29] =	ssyncadd.s32 $0xFFFFFFFF  }
0xb8: {  	_ =	strace $0x90000048  }
0xb9: {  	_ =	sfence  }
0xba: {  	s30 =	sld [smem:$0x0];
	_ =	sdelay $0x2  }
0xbb: {  	s31 =	sshll.u32 s1, $0xD;
	s1 =	sshrl.u32 s1, $0x2  }
0xbc: {  	s3 =	sand.u32 $0x4000, s31;
	s1 =	sadd.s32 s1, s30  }
0xbd: {  	s0 =	sor.u32 s3, s0;
	s1 =	sshll.u32 s1, $0x11  }
0xbe: {  	s0 =	sor.u32 s1, s0  }
0xbf: {  	s0 =	sadd.s32 $0x8F2B, s0  }
0xc0: {  	[sflag:s0] =	ssyncadd.remote.s32 $0x1  }
0xc1: {  	_ =	sfence.sel $0xFFFF  }
0xc2: {  	[dreg:$0x0] =	wrdreg $0xFFFFFFFF;
	(pc) =	sbr.abs _section_cstart, $3  }
0xc3: {  	[dreg:$0x1] =	wrdreg $0xFFFFFFFF  }
0xc4: {  	_ =	task.clear_ibuf [dreg:s9], $0x2FFFF;
	_ =	strace $0x9FFFFFFF  }
0xc5: {  	(tm) =	ssettm $0x7FFFFFFF  }
tec
execute0_lowered:
.L_overlay_start_1:
0x0: {  	(tag) =	ssettag $0x1  }
0x1: {  	v0 =	vimm.s32 $0x1380;
	vm14 =	vcmask $0x300;
	vm13 =	vcmask $0x704  }
0x2: {  	vm12 =	vcmask $0xB08;
	vm11 =	vcmask $0xF0C;
	v1 =	vlaneseq.u32  }
0x3: {  	vm10 =	vcmask $0x1310;
	vm9 =	vcmask $0x1714;
	vm6 =	vcmask $0x1B18  }
0x4: {  	vm0 =	vcmask $0x1F1C;
	v3 =	vimm.s32 $0x3380;
	v4 =	vimm.s32 $0x1FF8  }
0x5: {  	vm1 =	vcmask $0x2320;
	vm2 =	vcmask $0x2724;
	vm3 =	vcmask $0x2B28  }
0x6: {  	vm4 =	vcmask $0x2F2C;
	vm5 =	vcmask $0x3330;
	vm7 =	vcmask $0x3734  }
0x7: {  	vm8 =	vcmask $0x3B38;
	v5 =	vimm.s32 $0x3FF8;
	v6 =	vimm.s32 $0x1FF9  }
0x8: {  	v7 =	vimm.s32 $0x3FF9;
	v8 =	vimm.s32 $0x1FFA;
	v9 =	vimm.s32 $0x3FFA  }
0x9: {  	v10 =	vimm.s32 $0x1FFB;
	v11 =	vimm.s32 $0x3FFB;
	v12 =	vimm.s32 $0x1FFC  }
0xa: {  	v13 =	vimm.s32 $0x3FFC;
	v14 =	vimm.s32 $0x1FFD;
	v15 =	vimm.s32 $0x3FFD  }
0xb: {  	v16 =	vimm.s32 $0x1FFE;
	v17 =	vimm.s32 $0x3FFE;
	v18 =	vimm.s32 $0x1FFF  }
0xc: {  	v19 =	vimm.s32 $0x3FFF;
	v0 =	vsel vm14, $0x0, v0;
	v3 =	vsel vm14, $0x2000, v3  }
0xd: {  	v4 =	vsel vm14, $0xC78, v4;
	v5 =	vsel vm14, $0x2C78, v5;
	v6 =	vsel vm14, $0xC79, v6  }
0xe: {  	v7 =	vsel vm14, $0x2C79, v7;
	v8 =	vsel vm14, $0xC7A, v8;
	v9 =	vsel vm14, $0x2C7A, v9  }
0xf: {  	v10 =	vsel vm14, $0xC7B, v10;
	v11 =	vsel vm14, $0x2C7B, v11;
	v12 =	vsel vm14, $0xC7C, v12  }
0x10: {  	v13 =	vsel vm14, $0x2C7C, v13;
	v14 =	vsel vm14, $0xC7D, v14;
	v15 =	vsel vm14, $0x2C7D, v15  }
0x11: {  	v16 =	vsel vm14, $0xC7E, v16;
	v17 =	vsel vm14, $0x2C7E, v17;
	v18 =	vsel vm14, $0xC7F, v18  }
0x12: {  	v19 =	vsel vm14, $0x2C7F, v19;
	v0 =	vsel vm13, $0x80, v0;
	v3 =	vsel vm13, $0x2080, v3  }
0x13: {  	v4 =	vsel vm13, $0xCF8, v4;
	v5 =	vsel vm13, $0x2CF8, v5;
	v6 =	vsel vm13, $0xCF9, v6  }
0x14: {  	v7 =	vsel vm13, $0x2CF9, v7;
	v8 =	vsel vm13, $0xCFA, v8;
	v9 =	vsel vm13, $0x2CFA, v9  }
0x15: {  	v10 =	vsel vm13, $0xCFB, v10;
	v11 =	vsel vm13, $0x2CFB, v11;
	v12 =	vsel vm13, $0xCFC, v12  }
0x16: {  	v13 =	vsel vm13, $0x2CFC, v13;
	v14 =	vsel vm13, $0xCFD, v14;
	v15 =	vsel vm13, $0x2CFD, v15  }
0x17: {  	v16 =	vsel vm13, $0xCFE, v16;
	v17 =	vsel vm13, $0x2CFE, v17;
	v18 =	vsel vm13, $0xCFF, v18  }
0x18: {  	v19 =	vsel vm13, $0x2CFF, v19;
	v0 =	vsel vm12, $0x100, v0;
	v3 =	vsel vm12, $0x2100, v3  }
0x19: {  	v4 =	vsel vm12, $0xD78, v4;
	v5 =	vsel vm12, $0x2D78, v5;
	v6 =	vsel vm12, $0xD79, v6  }
0x1a: {  	v7 =	vsel vm12, $0x2D79, v7;
	v8 =	vsel vm12, $0xD7A, v8;
	v9 =	vsel vm12, $0x2D7A, v9  }
0x1b: {  	v10 =	vsel vm12, $0xD7B, v10;
	v11 =	vsel vm12, $0x2D7B, v11;
	v12 =	vsel vm12, $0xD7C, v12  }
0x1c: {  	v13 =	vsel vm12, $0x2D7C, v13;
	v14 =	vsel vm12, $0xD7D, v14;
	v15 =	vsel vm12, $0x2D7D, v15  }
0x1d: {  	v16 =	vsel vm12, $0xD7E, v16;
	v17 =	vsel vm12, $0x2D7E, v17;
	v18 =	vsel vm12, $0xD7F, v18  }
0x1e: {  	v19 =	vsel vm12, $0x2D7F, v19;
	v2 =	vsel vm11, $0x180, v0;
	v0 =	vmul.u32 $0x80, v1  }
0x1f: {  	v3 =	vsel vm11, $0x2180, v3;
	v4 =	vsel vm11, $0xDF8, v4;
	v5 =	vsel vm11, $0x2DF8, v5  }
0x20: {  	v6 =	vsel vm11, $0xDF9, v6;
	v7 =	vsel vm11, $0x2DF9, v7;
	v8 =	vsel vm11, $0xDFA, v8  }
0x21: {  	v9 =	vsel vm11, $0x2DFA, v9;
	v10 =	vsel vm11, $0xDFB, v10;
	v11 =	vsel vm11, $0x2DFB, v11  }
0x22: {  	v12 =	vsel vm11, $0xDFC, v12;
	v13 =	vsel vm11, $0x2DFC, v13;
	v14 =	vsel vm11, $0xDFD, v14  }
0x23: {  	v15 =	vsel vm11, $0x2DFD, v15;
	v16 =	vsel vm11, $0xDFE, v16;
	v17 =	vsel vm11, $0x2DFE, v17  }
0x24: {  	v18 =	vsel vm11, $0xDFF, v18;
	v19 =	vsel vm11, $0x2DFF, v19;
	v1 =	vsel vm10, $0x200, v2  }
0x25: {  	v3 =	vsel vm10, $0x2200, v3;
	v4 =	vsel vm10, $0xE78, v4;
	v5 =	vsel vm10, $0x2E78, v5  }
0x26: {  	v6 =	vsel vm10, $0xE79, v6;
	v7 =	vsel vm10, $0x2E79, v7;
	v8 =	vsel vm10, $0xE7A, v8  }
0x27: {  	v9 =	vsel vm10, $0x2E7A, v9;
	v10 =	vsel vm10, $0xE7B, v10;
	v11 =	vsel vm10, $0x2E7B, v11  }
0x28: {  	v12 =	vsel vm10, $0xE7C, v12;
	v13 =	vsel vm10, $0x2E7C, v13;
	v14 =	vsel vm10, $0xE7D, v14  }
0x29: {  	v15 =	vsel vm10, $0x2E7D, v15;
	v16 =	vsel vm10, $0xE7E, v16;
	v17 =	vsel vm10, $0x2E7E, v17  }
0x2a: {  	v18 =	vsel vm10, $0xE7F, v18;
	v19 =	vsel vm10, $0x2E7F, v19;
	v2 =	vsel vm9, $0x280, v1  }
0x2b: {  	v1 =	vor.u32 $0x800, v0;
	v3 =	vsel vm9, $0x2280, v3;
	v4 =	vsel vm9, $0xEF8, v4  }
0x2c: {  	v5 =	vsel vm9, $0x2EF8, v5;
	v6 =	vsel vm9, $0xEF9, v6;
	v7 =	vsel vm9, $0x2EF9, v7  }
0x2d: {  	v8 =	vsel vm9, $0xEFA, v8;
	v9 =	vsel vm9, $0x2EFA, v9;
	v10 =	vsel vm9, $0xEFB, v10  }
0x2e: {  	v11 =	vsel vm9, $0x2EFB, v11;
	v12 =	vsel vm9, $0xEFC, v12;
	v13 =	vsel vm9, $0x2EFC, v13  }
0x2f: {  	v14 =	vsel vm9, $0xEFD, v14;
	v15 =	vsel vm9, $0x2EFD, v15;
	v16 =	vsel vm9, $0xEFE, v16  }
0x30: {  	v17 =	vsel vm9, $0x2EFE, v17;
	v18 =	vsel vm9, $0xEFF, v18;
	v19 =	vsel vm9, $0x2EFF, v19  }
0x31: {  	v2 =	vsel vm6, $0x300, v2;
	v3 =	vsel vm6, $0x2300, v3;
	v4 =	vsel vm6, $0xF78, v4  }
0x32: {  	v5 =	vsel vm6, $0x2F78, v5;
	v6 =	vsel vm6, $0xF79, v6;
	v7 =	vsel vm6, $0x2F79, v7  }
0x33: {  	v8 =	vsel vm6, $0xF7A, v8;
	v9 =	vsel vm6, $0x2F7A, v9;
	v10 =	vsel vm6, $0xF7B, v10  }
0x34: {  	v11 =	vsel vm6, $0x2F7B, v11;
	v12 =	vsel vm6, $0xF7C, v12;
	v13 =	vsel vm6, $0x2F7C, v13  }
0x35: {  	v14 =	vsel vm6, $0xF7D, v14;
	v15 =	vsel vm6, $0x2F7D, v15;
	v16 =	vsel vm6, $0xF7E, v16  }
0x36: {  	v17 =	vsel vm6, $0x2F7E, v17;
	v18 =	vsel vm6, $0xF7F, v18;
	v19 =	vsel vm6, $0x2F7F, v19  }
0x37: {  	v2 =	vsel vm0, $0x380, v2;
	v3 =	vsel vm0, $0x2380, v3;
	v4 =	vsel vm0, $0xFF8, v4  }
0x38: {  	v5 =	vsel vm0, $0x2FF8, v5;
	v6 =	vsel vm0, $0xFF9, v6;
	v7 =	vsel vm0, $0x2FF9, v7  }
0x39: {  	v8 =	vsel vm0, $0xFFA, v8;
	v9 =	vsel vm0, $0x2FFA, v9;
	v10 =	vsel vm0, $0xFFB, v10  }
0x3a: {  	v11 =	vsel vm0, $0x2FFB, v11;
	v12 =	vsel vm0, $0xFFC, v12;
	v13 =	vsel vm0, $0x2FFC, v13  }
0x3b: {  	v14 =	vsel vm0, $0xFFD, v14;
	v15 =	vsel vm0, $0x2FFD, v15;
	v16 =	vsel vm0, $0xFFE, v16  }
0x3c: {  	v17 =	vsel vm0, $0x2FFE, v17;
	v18 =	vsel vm0, $0xFFF, v18;
	v19 =	vsel vm0, $0x2FFF, v19  }
0x3d: {  	v2 =	vsel vm1, $0x1000, v2;
	v3 =	vsel vm1, $0x3000, v3;
	v4 =	vsel vm1, $0x1C78, v4  }
0x3e: {  	v5 =	vsel vm1, $0x3C78, v5;
	v6 =	vsel vm1, $0x1C79, v6;
	v7 =	vsel vm1, $0x3C79, v7  }
0x3f: {  	v8 =	vsel vm1, $0x1C7A, v8;
	v9 =	vsel vm1, $0x3C7A, v9;
	v10 =	vsel vm1, $0x1C7B, v10  }
0x40: {  	v11 =	vsel vm1, $0x3C7B, v11;
	v12 =	vsel vm1, $0x1C7C, v12;
	v13 =	vsel vm1, $0x3C7C, v13  }
0x41: {  	v14 =	vsel vm1, $0x1C7D, v14;
	v15 =	vsel vm1, $0x3C7D, v15;
	v16 =	vsel vm1, $0x1C7E, v16  }
0x42: {  	v17 =	vsel vm1, $0x3C7E, v17;
	v18 =	vsel vm1, $0x1C7F, v18;
	v19 =	vsel vm1, $0x3C7F, v19  }
0x43: {  	v2 =	vsel vm2, $0x1080, v2;
	v3 =	vsel vm2, $0x3080, v3;
	v4 =	vsel vm2, $0x1CF8, v4  }
0x44: {  	v5 =	vsel vm2, $0x3CF8, v5;
	v6 =	vsel vm2, $0x1CF9, v6;
	v7 =	vsel vm2, $0x3CF9, v7  }
0x45: {  	v8 =	vsel vm2, $0x1CFA, v8;
	v9 =	vsel vm2, $0x3CFA, v9;
	v10 =	vsel vm2, $0x1CFB, v10  }
0x46: {  	v11 =	vsel vm2, $0x3CFB, v11;
	v12 =	vsel vm2, $0x1CFC, v12;
	v13 =	vsel vm2, $0x3CFC, v13  }
0x47: {  	v14 =	vsel vm2, $0x1CFD, v14;
	v15 =	vsel vm2, $0x3CFD, v15;
	v16 =	vsel vm2, $0x1CFE, v16  }
0x48: {  	v17 =	vsel vm2, $0x3CFE, v17;
	v18 =	vsel vm2, $0x1CFF, v18;
	v19 =	vsel vm2, $0x3CFF, v19  }
0x49: {  	v2 =	vsel vm3, $0x1100, v2;
	v3 =	vsel vm3, $0x3100, v3;
	v4 =	vsel vm3, $0x1D78, v4  }
0x4a: {  	v5 =	vsel vm3, $0x3D78, v5;
	v6 =	vsel vm3, $0x1D79, v6;
	v7 =	vsel vm3, $0x3D79, v7  }
0x4b: {  	v8 =	vsel vm3, $0x1D7A, v8;
	v9 =	vsel vm3, $0x3D7A, v9;
	v10 =	vsel vm3, $0x1D7B, v10  }
0x4c: {  	v11 =	vsel vm3, $0x3D7B, v11;
	v12 =	vsel vm3, $0x1D7C, v12;
	v13 =	vsel vm3, $0x3D7C, v13  }
0x4d: {  	v14 =	vsel vm3, $0x1D7D, v14;
	v15 =	vsel vm3, $0x3D7D, v15;
	v16 =	vsel vm3, $0x1D7E, v16  }
0x4e: {  	v17 =	vsel vm3, $0x3D7E, v17;
	v18 =	vsel vm3, $0x1D7F, v18;
	v19 =	vsel vm3, $0x3D7F, v19  }
0x4f: {  	v2 =	vsel vm4, $0x1180, v2;
	v3 =	vsel vm4, $0x3180, v3;
	v4 =	vsel vm4, $0x1DF8, v4  }
0x50: {  	v5 =	vsel vm4, $0x3DF8, v5;
	v6 =	vsel vm4, $0x1DF9, v6;
	v7 =	vsel vm4, $0x3DF9, v7  }
0x51: {  	v8 =	vsel vm4, $0x1DFA, v8;
	v9 =	vsel vm4, $0x3DFA, v9;
	v10 =	vsel vm4, $0x1DFB, v10  }
0x52: {  	v11 =	vsel vm4, $0x3DFB, v11;
	v12 =	vsel vm4, $0x1DFC, v12;
	v13 =	vsel vm4, $0x3DFC, v13  }
0x53: {  	v14 =	vsel vm4, $0x1DFD, v14;
	v15 =	vsel vm4, $0x3DFD, v15;
	v16 =	vsel vm4, $0x1DFE, v16  }
0x54: {  	v17 =	vsel vm4, $0x3DFE, v17;
	v18 =	vsel vm4, $0x1DFF, v18;
	v19 =	vsel vm4, $0x3DFF, v19  }
0x55: {  	v2 =	vsel vm5, $0x1200, v2;
	v3 =	vsel vm5, $0x3200, v3;
	v4 =	vsel vm5, $0x1E78, v4  }
0x56: {  	v5 =	vsel vm5, $0x3E78, v5;
	v6 =	vsel vm5, $0x1E79, v6;
	v7 =	vsel vm5, $0x3E79, v7  }
0x57: {  	s1 =	rddreg [dreg:$0x0];
	v8 =	vsel vm5, $0x1E7A, v8;
	v9 =	vsel vm5, $0x3E7A, v9;
	v10 =	vsel vm5, $0x1E7B, v10  }
0x58: {  	s0 =	rddreg [dreg:$0x1];
	v11 =	vsel vm5, $0x3E7B, v11;
	v12 =	vsel vm5, $0x1E7C, v12;
	v13 =	vsel vm5, $0x3E7C, v13  }
0x59: {  	s2 =	srdreg.scid;
	s3 =	rddreg [dreg:$0x2];
	v14 =	vsel vm5, $0x1E7D, v14;
	v15 =	vsel vm5, $0x3E7D, v15;
	v16 =	vsel vm5, $0x1E7E, v16  }
0x5a: {  	s4 =	stileid.u32;
	s6 =	simm.s32 $0x0;
	s7 =	simm.s32 $0x400;
	v17 =	vsel vm5, $0x3E7E, v17;
	v18 =	vsel vm5, $0x1E7F, v18;
	v19 =	vsel vm5, $0x3E7F, v19  }
0x5b: {  	s8 =	simm.s32 $0x3;
	s9 =	simm.s32 $0x7A1400;
	s10 =	simm.s32 $0x200;
	v2 =	vsel vm7, $0x1280, v2;
	v3 =	vsel vm7, $0x3280, v3;
	v4 =	vsel vm7, $0x1EF8, v4  }
0x5c: {  	s11 =	simm.s32 $0x1200;
	s12 =	simm.s32 $0x2200;
	s13 =	simm.s32 $0x3200;
	v5 =	vsel vm7, $0x3EF8, v5;
	v6 =	vsel vm7, $0x1EF9, v6;
	v7 =	vsel vm7, $0x3EF9, v7  }
0x5d: {  	s14 =	simm.s32 $0x4200;
	s15 =	simm.s32 $0x5200;
	s16 =	simm.s32 $0x6200;
	v8 =	vsel vm7, $0x1EFA, v8;
	v9 =	vsel vm7, $0x3EFA, v9;
	v10 =	vsel vm7, $0x1EFB, v10  }
0x5e: {  	s17 =	simm.s32 $0x7200;
	s18 =	simm.s32 $0x8200;
	s19 =	simm.s32 $0x9200;
	v11 =	vsel vm7, $0x3EFB, v11;
	v12 =	vsel vm7, $0x1EFC, v12;
	v13 =	vsel vm7, $0x3EFC, v13  }
0x5f: {  	s20 =	simm.s32 $0xA200;
	s21 =	simm.s32 $0xB200;
	s22 =	simm.s32 $0xC200;
	v14 =	vsel vm7, $0x1EFD, v14;
	v15 =	vsel vm7, $0x3EFD, v15;
	v16 =	vsel vm7, $0x1EFE, v16  }
0x60: {  	s23 =	simm.s32 $0xD200;
	s24 =	simm.s32 $0xE200;
	s25 =	simm.s32 $0xF200;
	v17 =	vsel vm7, $0x3EFE, v17;
	v18 =	vsel vm7, $0x1EFF, v18;
	v19 =	vsel vm7, $0x3EFF, v19  }
0x61: {  	s26 =	simm.s32 $0x1;
	s28 =	simm.s32 $0x10200;
	s29 =	simm.s32 $0x2;
	v2 =	vsel vm8, $0x1300, v2;
	v3 =	vsel vm8, $0x3300, v3;
	v4 =	vsel vm8, $0x1F78, v4  }
.Ltmp0:
0x62: {  	s2 =	sand.u32 $0x1, s2;
	s4 =	sshll.u32 s4, $0xA;
	v5 =	vsel vm8, $0x3F78, v5;
	v6 =	vsel vm8, $0x1F79, v6;
	v7 =	vsel vm8, $0x3F79, v7;
	(pc) =	sbr.rel .LBB2_1-.Ltmp0, $4  }
0x63: {  	[smem:$0x7FF] =	sst s6;
	s5 =	sshll.u32 s2, $0x9;
	s2 =	ssub.s32 $0x2, s2;
	v8 =	vsel vm8, $0x1F7A, v8;
	v9 =	vsel vm8, $0x3F7A, v9;
	v10 =	vsel vm8, $0x1F7B, v10  }
0x64: {  	_ =	strace $0x80000047;
	s5 =	sor.u32 s5, s4;
	s30 =	sshrl.u32 s2, $0x1;
	v11 =	vsel vm8, $0x3F7B, v11;
	v12 =	vsel vm8, $0x1F7C, v12;
	v13 =	vsel vm8, $0x3F7C, v13  }
0x65: {  	s31 =	sshrl.u32 s5, $0x3;
	s2 =	ssub.s32 s2, s30;
	s5 =	sadd.s32 s3, s5;
	v14 =	vsel vm8, $0x1F7D, v14;
	v15 =	vsel vm8, $0x3F7D, v15;
	v16 =	vsel vm8, $0x1F7E, v16  }
0x66: {  	s4 =	sadd.s32 s1, s31;
	s6 =	smax.u32 s2, $0x1;
	s2 =	simm.s32 $0x0;
	v17 =	vsel vm8, $0x3F7E, v17;
	v18 =	vsel vm8, $0x1F7F, v18;
	v19 =	vsel vm8, $0x3F7F, v19  }
.LBB2_5:
0x67: {  	_ =	swait.ge [sflag:s29], $0x1000  }
0x68: {  	[sflag:s29] =	ssyncset.done $0x0  }
0x69: {  	[sflag:s29] =	ssyncadd.s32 $0xFFFFF000  }
0x6a: {  	_ =	swait.ge [sflag:s29], $0x1000  }
0x6b: {  	[sflag:s29] =	ssyncset.done $0x0  }
0x6c: {  	[sflag:s29] =	ssyncadd.s32 $0xFFFFF000  }
0x6d: {  	_ =	swait.ge [sflag:s29], $0x1000  }
0x6e: {  	[sflag:s29] =	ssyncset.done $0x0  }
0x6f: {  	[sflag:s29] =	ssyncadd.s32 $0xFFFFF000  }
0x70: {  	_ =	swait.ge [sflag:s29], $0x1000  }
0x71: {  	[sflag:s29] =	ssyncset.done $0x0  }
0x72: {  	[sflag:s29] =	ssyncadd.s32 $0xFFFFF000  }
0x73: {  	_ =	swait.ge [sflag:s29], $0x1000  }
0x74: {  	[sflag:s29] =	ssyncset.done $0x0  }
0x75: {  	[sflag:s29] =	ssyncadd.s32 $0xFFFFF000  }
0x76: {  	_ =	swait.ge [sflag:s29], $0x1000  }
0x77: {  	[sflag:s29] =	ssyncset.done $0x0  }
0x78: {  	v21 =	vbroadcast v20, $0x8;
	[sflag:s29] =	ssyncadd.s32 $0xFFFFF000  }
0x79: {  	_ =	swait.ge [sflag:s29], $0x1000  }
0x7a: {  	v22 =	vor.u32 v0, v21;
	[sflag:s29] =	ssyncset.done $0x0  }
0x7b: {  	v21 =	vor.u32 v1, v21;
	[sflag:s29] =	ssyncadd.s32 $0xFFFFF000  }
0x7c: {  	_ =	swait.ge [sflag:s29], $0x1000  }
0x7d: {  	[sflag:s29] =	ssyncset.done $0x0  }
0x7e: {  	[sflag:s29] =	ssyncadd.s32 $0xFFFFF000  }
0x7f: {  	v23 =	vbroadcast v20, $0x9;
	v22 =	vld.idx.msk [tilespmem:v22+s18+$0x0], $0xffff  }
0x80: {  	v21 =	vld.idx.msk [tilespmem:v21+s18+$0x0], $0xffff  }
0x81: {  	v24 =	vor.u32 v0, v23  }
0x82: {  	v23 =	vor.u32 v1, v23;
	_ =	sdelay $0x1  }
0x83: {  	[tilespmem:v4+s28+$0x0] =	vst.idx.msk $0xffff, v22  }
0x84: {  	[tilespmem:v5+s28+$0x0] =	vst.idx.msk $0xffff, v21  }
0x85: {  	v53 =	vbroadcast v20, $0xA;
	v21 =	vld.idx.msk [tilespmem:v24+s19+$0x0], $0xffff  }
0x86: {  	v23 =	vld.idx.msk [tilespmem:v23+s19+$0x0], $0xffff  }
0x87: {  	v54 =	vor.u32 v0, v53  }
0x88: {  	v22 =	vor.u32 v1, v53;
	_ =	sdelay $0x1  }
0x89: {  	[tilespmem:v6+s28+$0x0] =	vst.idx.msk $0xffff, v21  }
0x8a: {  	[tilespmem:v7+s28+$0x0] =	vst.idx.msk $0xffff, v23  }
0x8b: {  	v55 =	vbroadcast v20, $0xB;
	v21 =	vld.idx.msk [tilespmem:v54+s20+$0x0], $0xffff  }
0x8c: {  	v22 =	vld.idx.msk [tilespmem:v22+s20+$0x0], $0xffff  }
0x8d: {  	v56 =	vor.u32 v0, v55  }
0x8e: {  	v23 =	vor.u32 v1, v55;
	_ =	sdelay $0x1  }
0x8f: {  	[tilespmem:v8+s28+$0x0] =	vst.idx.msk $0xffff, v21  }
0x90: {  	[tilespmem:v9+s28+$0x0] =	vst.idx.msk $0xffff, v22  }
0x91: {  	v57 =	vbroadcast v20, $0xC;
	v21 =	vld.idx.msk [tilespmem:v56+s21+$0x0], $0xffff  }
0x92: {  	v23 =	vld.idx.msk [tilespmem:v23+s21+$0x0], $0xffff  }
0x93: {  	v58 =	vor.u32 v0, v57  }
0x94: {  	v22 =	vor.u32 v1, v57;
	_ =	sdelay $0x1  }
0x95: {  	[tilespmem:v10+s28+$0x0] =	vst.idx.msk $0xffff, v21  }
0x96: {  	[tilespmem:v11+s28+$0x0] =	vst.idx.msk $0xffff, v23  }
0x97: {  	v59 =	vbroadcast v20, $0xD;
	v21 =	vld.idx.msk [tilespmem:v58+s22+$0x0], $0xffff  }
0x98: {  	v22 =	vld.idx.msk [tilespmem:v22+s22+$0x0], $0xffff  }
0x99: {  	v60 =	vor.u32 v0, v59  }
0x9a: {  	v23 =	vor.u32 v1, v59;
	_ =	sdelay $0x1  }
0x9b: {  	[tilespmem:v12+s28+$0x0] =	vst.idx.msk $0xffff, v21  }
0x9c: {  	[tilespmem:v13+s28+$0x0] =	vst.idx.msk $0xffff, v22  }
0x9d: {  	v61 =	vbroadcast v20, $0xE;
	v21 =	vld.idx.msk [tilespmem:v60+s23+$0x0], $0xffff  }
0x9e: {  	v23 =	vld.idx.msk [tilespmem:v23+s23+$0x0], $0xffff  }
0x9f: {  	v62 =	vor.u32 v0, v61  }
0xa0: {  	v22 =	vor.u32 v1, v61;
	_ =	sdelay $0x1  }
0xa1: {  	[tilespmem:v14+s28+$0x0] =	vst.idx.msk $0xffff, v21  }
0xa2: {  	[tilespmem:v15+s28+$0x0] =	vst.idx.msk $0xffff, v23  }
0xa3: {  	v20 =	vbroadcast v20, $0xF;
	v21 =	vld.idx.msk [tilespmem:v62+s24+$0x0], $0xffff  }
0xa4: {  	v22 =	vld.idx.msk [tilespmem:v22+s24+$0x0], $0xffff  }
0xa5: {  	v63 =	vor.u32 v0, v20  }
0xa6: {  	v20 =	vor.u32 v1, v20;
	_ =	sdelay $0x1  }
0xa7: {  	[tilespmem:v16+s28+$0x0] =	vst.idx.msk $0xffff, v21  }
0xa8: {  	[tilespmem:v17+s28+$0x0] =	vst.idx.msk $0xffff, v22  }
0xa9: {  	v21 =	vld.idx.msk [tilespmem:v63+s25+$0x0], $0xffff  }
0xaa: {  	v20 =	vld.idx.msk [tilespmem:v20+s25+$0x0], $0xffff;
	_ =	sdelay $0x2  }
0xab: {  	s2 =	sadd.s32 $0x1, s2  }
0xac: {  	p0 =	sne.s32 s2, s6;
	[tilespmem:v18+s28+$0x0] =	vst.idx.msk $0xffff, v21  }
.Ltmp1:
0xad: {  	s1 =	simm.s32 $0x1000;
	s3 =	simm.s32 $0x20000;
	[tilespmem:v19+s28+$0x0] =	vst.idx.msk $0xffff, v20;
	(pc) =	sbr.rel @!p0 .LBB2_6-.Ltmp1, $4  }
0xae: {  	[hbm4b:s5+s1] =	stream.strided.scatter [tilespmem:s28], [sflag:$0x3], $0x4000, s3, s1, $0x38;
	[tilespmem:$0x14200] =	vst v63  }
0xaf: {  	_ =	swait.ge [sflag:s8], $0x4000  }
0xb0: {  	[sflag:s8] =	ssyncset.done $0x0  }
0xb1: {  	[sflag:s8] =	ssyncadd.s32 $0xFFFFC000  }
.LBB2_1:
.Ltmp2:
0xb2: {  	s1 =	simm.s32 $0x0;
	(pc) =	sbr.rel .LBB2_2-.Ltmp2, $4  }
0xb3: {  	[tilespmem:s1], [sflag:$0x3] =	stream.linear.gather [hbm4b:s4+s1], $0x200, $0x38;
	[tilespmem:$0x14200] =	vst v63  }
0xb4: {  	_ =	swait.ge [sflag:s8], $0x200  }
0xb5: {  	[sflag:s8] =	ssyncset.done $0x0  }
0xb6: {  	s3 =	simm.s32 $0x0;
	v20 =	vlaneseq.u32;
	s1 =	simm.s32 $0xFFFFFFF8;
	[sflag:s8] =	ssyncadd.s32 $0xFFFFFE00  }
.LBB2_4:
0xb7: {  	(v2sf) =	vpush v22, $0x8;
	_ =	sdelay $0x1  }
0xb8: {  	(v2sf) =	vpush v22, $0x9;
	_ =	sdelay $0x2  }
0xb9: {  	(v2sf) =	vpush v22, $0xA;
	_ =	sdelay $0x2  }
0xba: {  	(v2sf) =	vpush v22, $0xB;
	_ =	sdelay $0x2  }
0xbb: {  	(v2sf) =	vpush v22, $0xC;
	_ =	sdelay $0x3  }
0xbc: {  	s30 =	spop (v2sf)  }
0xbd: {  	(v2sf) =	vpush v22, $0xD;
	s30 =	sand.u32 $0x1FFFFF80, s30  }
0xbe: {  	s31 =	spop (v2sf);
	(v2sf) =	vpush v22, $0xE;
	s30 =	sadd.s32 s0, s30  }
0xbf: {  	[tilespmem:s18], [sflag:$0x2] =	stream.strided.gather [hbm4b:s30+s7], $0x1000, s9, s7, $0x38;
	[tilespmem:$0x14200] =	vst v63  }
0xc0: {  	s30 =	sand.u32 $0x1FFFFF80, s31  }
0xc1: {  	s31 =	spop (v2sf);
	(v2sf) =	vpush v22, $0xF;
	s30 =	sadd.s32 s0, s30  }
0xc2: {  	[tilespmem:s19], [sflag:$0x2] =	stream.strided.gather [hbm4b:s30+s7], $0x1000, s9, s7, $0x38;
	[tilespmem:$0x14200] =	vst v63  }
0xc3: {  	s30 =	sand.u32 $0x1FFFFF80, s31  }
0xc4: {  	s31 =	spop (v2sf);
	s30 =	sadd.s32 s0, s30  }
0xc5: {  	[tilespmem:s20], [sflag:$0x2] =	stream.strided.gather [hbm4b:s30+s7], $0x1000, s9, s7, $0x38;
	[tilespmem:$0x14200] =	vst v63  }
0xc6: {  	s30 =	sand.u32 $0x1FFFFF80, s31  }
0xc7: {  	s31 =	spop (v2sf);
	s30 =	sadd.s32 s0, s30  }
0xc8: {  	[tilespmem:s21], [sflag:$0x2] =	stream.strided.gather [hbm4b:s30+s7], $0x1000, s9, s7, $0x38;
	[tilespmem:$0x14200] =	vst v63  }
0xc9: {  	s30 =	sand.u32 $0x1FFFFF80, s31  }
0xca: {  	s30 =	sadd.s32 s0, s30  }
0xcb: {  	[tilespmem:s22], [sflag:$0x2] =	stream.strided.gather [hbm4b:s30+s7], $0x1000, s9, s7, $0x38;
	[tilespmem:$0x14200] =	vst v63  }
0xcc: {  	s31 =	spop (v2sf)  }
0xcd: {  	s30 =	sand.u32 $0x1FFFFF80, s31;
	s31 =	spop (v2sf)  }
0xce: {  	s30 =	sadd.s32 s0, s30;
	s31 =	sand.u32 $0x1FFFFF80, s31  }
0xcf: {  	[tilespmem:s23], [sflag:$0x2] =	stream.strided.gather [hbm4b:s30+s7], $0x1000, s9, s7, $0x38;
	[tilespmem:$0x14200] =	vst v63  }
0xd0: {  	s30 =	sadd.s32 s0, s31;
	s31 =	spop (v2sf)  }
0xd1: {  	[tilespmem:s24], [sflag:$0x2] =	stream.strided.gather [hbm4b:s30+s7], $0x1000, s9, s7, $0x38;
	[tilespmem:$0x14200] =	vst v63  }
0xd2: {  	s30 =	sand.u32 $0x1FFFFF80, s31  }
0xd3: {  	s30 =	sadd.s32 s0, s30  }
0xd4: {  	[tilespmem:s25], [sflag:$0x2] =	stream.strided.gather [hbm4b:s30+s7], $0x1000, s9, s7, $0x38;
	[tilespmem:$0x14200] =	vst v63  }
0xd5: {  	_ =	swait.ge [sflag:s26], $0x1000  }
0xd6: {  	[sflag:s26] =	ssyncset.done $0x0  }
0xd7: {  	[sflag:s26] =	ssyncadd.s32 $0xFFFFF000  }
0xd8: {  	_ =	swait.ge [sflag:s26], $0x1000  }
0xd9: {  	[sflag:s26] =	ssyncset.done $0x0  }
0xda: {  	[sflag:s26] =	ssyncadd.s32 $0xFFFFF000  }
0xdb: {  	_ =	swait.ge [sflag:s26], $0x1000  }
0xdc: {  	[sflag:s26] =	ssyncset.done $0x0  }
0xdd: {  	[sflag:s26] =	ssyncadd.s32 $0xFFFFF000  }
0xde: {  	_ =	swait.ge [sflag:s26], $0x1000  }
0xdf: {  	[sflag:s26] =	ssyncset.done $0x0  }
0xe0: {  	[sflag:s26] =	ssyncadd.s32 $0xFFFFF000  }
0xe1: {  	_ =	swait.ge [sflag:s26], $0x1000  }
0xe2: {  	[sflag:s26] =	ssyncset.done $0x0  }
0xe3: {  	[sflag:s26] =	ssyncadd.s32 $0xFFFFF000  }
0xe4: {  	_ =	swait.ge [sflag:s26], $0x1000  }
0xe5: {  	v20 =	vand.u32 $0x7F, v21;
	[sflag:s26] =	ssyncset.done $0x0  }
0xe6: {  	v21 =	vbroadcast v20, $0x0;
	[sflag:s26] =	ssyncadd.s32 $0xFFFFF000  }
0xe7: {  	_ =	swait.ge [sflag:s26], $0x1000  }
0xe8: {  	v22 =	vor.u32 v0, v21;
	s31 =	sadd.s32 $0x8, s1;
	[sflag:s26] =	ssyncset.done $0x0  }
0xe9: {  	v21 =	vor.u32 v1, v21;
	v23 =	vmov s31;
	[sflag:s26] =	ssyncadd.s32 $0xFFFFF000  }
0xea: {  	v24 =	vshll.u32 v23, $0x3;
	_ =	swait.ge [sflag:s26], $0x1000  }
0xeb: {  	v23 =	vand.u32 $0x70, v23;
	v24 =	vand.u32 $0xC00, v24;
	[sflag:s26] =	ssyncset.done $0x0  }
0xec: {  	v23 =	vor.u32 v23, v24;
	[sflag:s26] =	ssyncadd.s32 $0xFFFFF000  }
0xed: {  	v25 =	vbroadcast v20, $0x1;
	v24 =	vor.u32 v2, v23;
	v22 =	vld.idx.msk [tilespmem:v22+s10+$0x0], $0xffff  }
0xee: {  	v23 =	vor.u32 v3, v23;
	v21 =	vld.idx.msk [tilespmem:v21+s10+$0x0], $0xffff  }
0xef: {  	v26 =	vor.u32 v0, v25;
	s31 =	sadd.s32 $0x9, s1  }
0xf0: {  	v25 =	vor.u32 v1, v25;
	v27 =	vmov s31  }
0xf1: {  	v28 =	vshll.u32 v27, $0x3  }
0xf2: {  	v39 =	vand.u32 $0xC00, v28;
	[tilespmem:v24+s28+$0x0] =	vst.idx.msk $0xffff, v22;
	v22 =	vand.u32 $0x71, v27  }
0xf3: {  	[tilespmem:v23+s28+$0x0] =	vst.idx.msk $0xffff, v21;
	v21 =	vor.u32 v22, v39  }
0xf4: {  	v40 =	vbroadcast v20, $0x2;
	v22 =	vld.idx.msk [tilespmem:v26+s11+$0x0], $0xffff;
	v23 =	vor.u32 v2, v21  }
0xf5: {  	v25 =	vld.idx.msk [tilespmem:v25+s11+$0x0], $0xffff;
	v21 =	vor.u32 v3, v21  }
0xf6: {  	v41 =	vor.u32 v0, v40;
	s31 =	sadd.s32 $0xA, s1  }
0xf7: {  	v42 =	vmov s31;
	v24 =	vor.u32 v1, v40  }
0xf8: {  	v43 =	vshll.u32 v42, $0x3  }
0xf9: {  	[tilespmem:v23+s28+$0x0] =	vst.idx.msk $0xffff, v22;
	v22 =	vand.u32 $0x72, v42;
	v23 =	vand.u32 $0xC00, v43  }
0xfa: {  	[tilespmem:v21+s28+$0x0] =	vst.idx.msk $0xffff, v25;
	v21 =	vor.u32 v22, v23  }
0xfb: {  	v44 =	vbroadcast v20, $0x3;
	v22 =	vld.idx.msk [tilespmem:v41+s12+$0x0], $0xffff;
	v23 =	vor.u32 v2, v21  }
0xfc: {  	v24 =	vld.idx.msk [tilespmem:v24+s12+$0x0], $0xffff;
	v21 =	vor.u32 v3, v21  }
0xfd: {  	v45 =	vor.u32 v0, v44;
	s31 =	sadd.s32 $0xB, s1  }
0xfe: {  	v46 =	vmov s31;
	v25 =	vor.u32 v1, v44  }
0xff: {  	v47 =	vshll.u32 v46, $0x3  }
0x100: {  	[tilespmem:v23+s28+$0x0] =	vst.idx.msk $0xffff, v22;
	v22 =	vand.u32 $0x73, v46;
	v23 =	vand.u32 $0xC00, v47  }
0x101: {  	[tilespmem:v21+s28+$0x0] =	vst.idx.msk $0xffff, v24;
	v21 =	vor.u32 v22, v23  }
0x102: {  	v48 =	vbroadcast v20, $0x4;
	v22 =	vld.idx.msk [tilespmem:v45+s13+$0x0], $0xffff;
	v23 =	vor.u32 v2, v21  }
0x103: {  	v25 =	vld.idx.msk [tilespmem:v25+s13+$0x0], $0xffff;
	v21 =	vor.u32 v3, v21  }
0x104: {  	v49 =	vor.u32 v0, v48;
	s31 =	sadd.s32 $0xC, s1  }
0x105: {  	v50 =	vmov s31;
	v24 =	vor.u32 v1, v48  }
0x106: {  	v51 =	vshll.u32 v50, $0x3  }
0x107: {  	[tilespmem:v23+s28+$0x0] =	vst.idx.msk $0xffff, v22;
	v22 =	vand.u32 $0x74, v50;
	v23 =	vand.u32 $0xC00, v51  }
0x108: {  	[tilespmem:v21+s28+$0x0] =	vst.idx.msk $0xffff, v25;
	v21 =	vor.u32 v22, v23  }
0x109: {  	v52 =	vbroadcast v20, $0x5;
	v22 =	vld.idx.msk [tilespmem:v49+s14+$0x0], $0xffff;
	v23 =	vor.u32 v2, v21  }
0x10a: {  	v24 =	vld.idx.msk [tilespmem:v24+s14+$0x0], $0xffff;
	v21 =	vor.u32 v3, v21  }
0x10b: {  	v53 =	vor.u32 v0, v52;
	s31 =	sadd.s32 $0xD, s1  }
0x10c: {  	v54 =	vmov s31;
	v25 =	vor.u32 v1, v52  }
0x10d: {  	v55 =	vshll.u32 v54, $0x3  }
0x10e: {  	[tilespmem:v23+s28+$0x0] =	vst.idx.msk $0xffff, v22;
	v22 =	vand.u32 $0x75, v54;
	v23 =	vand.u32 $0xC00, v55  }
0x10f: {  	[tilespmem:v21+s28+$0x0] =	vst.idx.msk $0xffff, v24;
	v21 =	vor.u32 v22, v23  }
0x110: {  	v56 =	vbroadcast v20, $0x6;
	v22 =	vld.idx.msk [tilespmem:v53+s15+$0x0], $0xffff;
	v23 =	vor.u32 v2, v21  }
0x111: {  	v25 =	vld.idx.msk [tilespmem:v25+s15+$0x0], $0xffff;
	v21 =	vor.u32 v3, v21  }
0x112: {  	v57 =	vor.u32 v0, v56;
	s31 =	sadd.s32 $0xE, s1  }
0x113: {  	v58 =	vmov s31;
	v24 =	vor.u32 v1, v56  }
0x114: {  	v59 =	vshll.u32 v58, $0x3  }
0x115: {  	[tilespmem:v23+s28+$0x0] =	vst.idx.msk $0xffff, v22;
	v22 =	vand.u32 $0x76, v58;
	v23 =	vand.u32 $0xC00, v59  }
0x116: {  	[tilespmem:v21+s28+$0x0] =	vst.idx.msk $0xffff, v25;
	v21 =	vor.u32 v22, v23  }
0x117: {  	v60 =	vbroadcast v20, $0x7;
	v22 =	vld.idx.msk [tilespmem:v57+s16+$0x0], $0xffff;
	v23 =	vor.u32 v2, v21  }
0x118: {  	v24 =	vld.idx.msk [tilespmem:v24+s16+$0x0], $0xffff;
	v21 =	vor.u32 v3, v21  }
0x119: {  	v61 =	vor.u32 v0, v60;
	s31 =	sadd.s32 $0xF, s1  }
0x11a: {  	v62 =	vmov s31;
	v25 =	vor.u32 v1, v60  }
0x11b: {  	v63 =	vshll.u32 v62, $0x3  }
0x11c: {  	[tilespmem:v23+s28+$0x0] =	vst.idx.msk $0xffff, v22;
	v22 =	vand.u32 $0x77, v62;
	v23 =	vand.u32 $0xC00, v63  }
0x11d: {  	[tilespmem:v21+s28+$0x0] =	vst.idx.msk $0xffff, v24;
	v21 =	vor.u32 v22, v23  }
0x11e: {  	s1 =	sadd.s32 $0x10, s1;
	v22 =	vld.idx.msk [tilespmem:v61+s17+$0x0], $0xffff;
	v23 =	vor.u32 v2, v21  }
0x11f: {  	p0 =	sne.s32 s1, $0x1F8;
	v24 =	vld.idx.msk [tilespmem:v25+s17+$0x0], $0xffff;
	v21 =	vor.u32 v3, v21  }
.Ltmp3:
0x120: {  	_ = 	snop;
	(pc) =	sbr.rel @!p0 .LBB2_5-.Ltmp3, $3  }
0x121: {  	_ =	sdelay $0x1  }
0x122: {  	[tilespmem:v23+s28+$0x0] =	vst.idx.msk $0xffff, v22  }
0x123: {  	s3 =	sadd.s32 $0x10, s3;
	[tilespmem:v21+s28+$0x0] =	vst.idx.msk $0xffff, v24  }
.LBB2_2:
0x124: {  	v21 =	vld [tilespmem:s3+$0x0];
	_ =	sdelay $0x4  }
0x125: {  	v22 =	vshrl.u32 v21, $0x7  }
0x126: {  	v22 =	vshll.u32 v22, $0x7  }
0x127: {  	(v2sf) =	vpush v22, $0x0;
	_ =	sdelay $0x1  }
0x128: {  	(v2sf) =	vpush v22, $0x1;
	_ =	sdelay $0x2  }
0x129: {  	(v2sf) =	vpush v22, $0x2;
	_ =	sdelay $0x2  }
0x12a: {  	(v2sf) =	vpush v22, $0x3;
	_ =	sdelay $0x6  }
0x12b: {  	s30 =	spop (v2sf);
	(v2sf) =	vpush v22, $0x4;
	_ =	sdelay $0x1  }
0x12c: {  	s30 =	sand.u32 $0x1FFFFF80, s30;
	s31 =	spop (v2sf);
	(v2sf) =	vpush v22, $0x5  }
0x12d: {  	s30 =	sadd.s32 s0, s30  }
0x12e: {  	[tilespmem:s10], [sflag:$0x1] =	stream.strided.gather [hbm4b:s30+s7], $0x1000, s9, s7, $0x38;
	[tilespmem:$0x14200] =	vst v63  }
0x12f: {  	s30 =	sand.u32 $0x1FFFFF80, s31;
	s31 =	spop (v2sf);
	(v2sf) =	vpush v22, $0x6  }
0x130: {  	s30 =	sadd.s32 s0, s30  }
0x131: {  	[tilespmem:s11], [sflag:$0x1] =	stream.strided.gather [hbm4b:s30+s7], $0x1000, s9, s7, $0x38;
	[tilespmem:$0x14200] =	vst v63  }
0x132: {  	s30 =	sand.u32 $0x1FFFFF80, s31;
	s31 =	spop (v2sf);
	(v2sf) =	vpush v22, $0x7;
	_ =	sdelay $0x1  }
0x133: {  	s30 =	sadd.s32 s0, s30  }
0x134: {  	[tilespmem:s12], [sflag:$0x1] =	stream.strided.gather [hbm4b:s30+s7], $0x1000, s9, s7, $0x38;
	[tilespmem:$0x14200] =	vst v63  }
0x135: {  	s30 =	sand.u32 $0x1FFFFF80, s31  }
0x136: {  	s30 =	sadd.s32 s0, s30  }
0x137: {  	[tilespmem:s13], [sflag:$0x1] =	stream.strided.gather [hbm4b:s30+s7], $0x1000, s9, s7, $0x38;
	[tilespmem:$0x14200] =	vst v63  }
0x138: {  	s31 =	spop (v2sf)  }
0x139: {  	s30 =	sand.u32 $0x1FFFFF80, s31  }
0x13a: {  	s31 =	spop (v2sf);
	s30 =	sadd.s32 s0, s30  }
0x13b: {  	[tilespmem:s14], [sflag:$0x1] =	stream.strided.gather [hbm4b:s30+s7], $0x1000, s9, s7, $0x38;
	[tilespmem:$0x14200] =	vst v63  }
0x13c: {  	s30 =	sand.u32 $0x1FFFFF80, s31  }
0x13d: {  	s31 =	spop (v2sf);
	s30 =	sadd.s32 s0, s30  }
0x13e: {  	[tilespmem:s15], [sflag:$0x1] =	stream.strided.gather [hbm4b:s30+s7], $0x1000, s9, s7, $0x38;
	[tilespmem:$0x14200] =	vst v63  }
0x13f: {  	p0 =	seq.s32 s1, $0xFFFFFFF8;
	s30 =	sand.u32 $0x1FFFFF80, s31  }
.Ltmp4:
0x140: {  	s31 =	spop (v2sf);
	s30 =	sadd.s32 s0, s30;
	(pc) =	sbr.rel @p0 .LBB2_4-.Ltmp4, $4  }
0x141: {  	[tilespmem:s16], [sflag:$0x1] =	stream.strided.gather [hbm4b:s30+s7], $0x1000, s9, s7, $0x38;
	[tilespmem:$0x14200] =	vst v63  }
0x142: {  	s30 =	sand.u32 $0x1FFFFF80, s31  }
0x143: {  	s30 =	sadd.s32 s0, s30  }
0x144: {  	[tilespmem:s17], [sflag:$0x1] =	stream.strided.gather [hbm4b:s30+s7], $0x1000, s9, s7, $0x38;
	[tilespmem:$0x14200] =	vst v63  }
0x145: {  	_ =	swait.ge [sflag:s29], $0x1000  }
0x146: {  	[sflag:s29] =	ssyncset.done $0x0  }
0x147: {  	[sflag:s29] =	ssyncadd.s32 $0xFFFFF000  }
0x148: {  	_ =	swait.ge [sflag:s29], $0x1000  }
0x149: {  	[sflag:s29] =	ssyncset.done $0x0  }
0x14a: {  	[sflag:s29] =	ssyncadd.s32 $0xFFFFF000  }
0x14b: {  	_ =	swait.ge [sflag:s29], $0x1000  }
0x14c: {  	[sflag:s29] =	ssyncset.done $0x0  }
0x14d: {  	[sflag:s29] =	ssyncadd.s32 $0xFFFFF000  }
0x14e: {  	_ =	swait.ge [sflag:s29], $0x1000  }
0x14f: {  	[sflag:s29] =	ssyncset.done $0x0  }
0x150: {  	[sflag:s29] =	ssyncadd.s32 $0xFFFFF000  }
0x151: {  	_ =	swait.ge [sflag:s29], $0x1000  }
0x152: {  	[sflag:s29] =	ssyncset.done $0x0  }
0x153: {  	[sflag:s29] =	ssyncadd.s32 $0xFFFFF000  }
0x154: {  	_ =	swait.ge [sflag:s29], $0x1000  }
0x155: {  	[sflag:s29] =	ssyncset.done $0x0  }
0x156: {  	v23 =	vbroadcast v20, $0x8;
	[sflag:s29] =	ssyncadd.s32 $0xFFFFF000  }
0x157: {  	_ =	swait.ge [sflag:s29], $0x1000  }
0x158: {  	v24 =	vor.u32 v0, v23;
	[sflag:s29] =	ssyncset.done $0x0  }
0x159: {  	v25 =	vmov s1;
	v23 =	vor.u32 v1, v23;
	[sflag:s29] =	ssyncadd.s32 $0xFFFFF000  }
0x15a: {  	v26 =	vshll.u32 v25, $0x3;
	_ =	swait.ge [sflag:s29], $0x1000  }
0x15b: {  	v25 =	vand.u32 $0x78, v25;
	v26 =	vand.u32 $0xFFFFFC00, v26;
	[sflag:s29] =	ssyncset.done $0x0  }
0x15c: {  	v25 =	vor.u32 v25, v26;
	[sflag:s29] =	ssyncadd.s32 $0xFFFFF000  }
0x15d: {  	v27 =	vbroadcast v20, $0x9;
	v26 =	vadd.s32 v2, v25;
	v24 =	vld.idx.msk [tilespmem:v24+s18+$0x0], $0xffff  }
0x15e: {  	v25 =	vadd.s32 v3, v25;
	v23 =	vld.idx.msk [tilespmem:v23+s18+$0x0], $0xffff  }
0x15f: {  	s30 =	sadd.s32 $0x1, s1;
	v28 =	vor.u32 v0, v27  }
0x160: {  	v29 =	vmov s30;
	v27 =	vor.u32 v1, v27  }
0x161: {  	v30 =	vshll.u32 v29, $0x3  }
0x162: {  	v50 =	vand.u32 $0x79, v29;
	v51 =	vand.u32 $0xFFFFFC00, v30;
	[tilespmem:v26+s28+$0x0] =	vst.idx.msk $0xffff, v24  }
0x163: {  	[tilespmem:v25+s28+$0x0] =	vst.idx.msk $0xffff, v23;
	v23 =	vor.u32 v50, v51  }
0x164: {  	v54 =	vbroadcast v20, $0xA;
	v52 =	vld.idx.msk [tilespmem:v28+s19+$0x0], $0xffff;
	v53 =	vadd.s32 v2, v23  }
0x165: {  	v27 =	vld.idx.msk [tilespmem:v27+s19+$0x0], $0xffff;
	v23 =	vadd.s32 v3, v23  }
0x166: {  	s31 =	sadd.s32 $0x2, s1;
	v55 =	vor.u32 v0, v54  }
0x167: {  	v56 =	vmov s31;
	v26 =	vor.u32 v1, v54  }
0x168: {  	v57 =	vshll.u32 v56, $0x3  }
0x169: {  	v58 =	vand.u32 $0x7A, v56;
	v59 =	vand.u32 $0xFFFFFC00, v57;
	[tilespmem:v53+s28+$0x0] =	vst.idx.msk $0xffff, v52  }
0x16a: {  	[tilespmem:v23+s28+$0x0] =	vst.idx.msk $0xffff, v27;
	v23 =	vor.u32 v58, v59  }
0x16b: {  	v61 =	vbroadcast v20, $0xB;
	v60 =	vld.idx.msk [tilespmem:v55+s20+$0x0], $0xffff;
	v25 =	vadd.s32 v2, v23  }
0x16c: {  	v26 =	vld.idx.msk [tilespmem:v26+s20+$0x0], $0xffff;
	v23 =	vadd.s32 v3, v23  }
0x16d: {  	s31 =	sadd.s32 $0x3, s1;
	v62 =	vor.u32 v0, v61  }
0x16e: {  	v63 =	vmov s31;
	v27 =	vor.u32 v1, v61  }
0x16f: {  	v33 =	vshll.u32 v63, $0x3  }
0x170: {  	v34 =	vand.u32 $0x7B, v63;
	v35 =	vand.u32 $0xFFFFFC00, v33;
	[tilespmem:v25+s28+$0x0] =	vst.idx.msk $0xffff, v60  }
0x171: {  	[tilespmem:v23+s28+$0x0] =	vst.idx.msk $0xffff, v26;
	v23 =	vor.u32 v34, v35  }
0x172: {  	v37 =	vbroadcast v20, $0xC;
	v36 =	vld.idx.msk [tilespmem:v62+s21+$0x0], $0xffff;
	v25 =	vadd.s32 v2, v23  }
0x173: {  	v27 =	vld.idx.msk [tilespmem:v27+s21+$0x0], $0xffff;
	v23 =	vadd.s32 v3, v23  }
0x174: {  	v38 =	vor.u32 v0, v37;
	s31 =	sadd.s32 $0x4, s1  }
0x175: {  	v39 =	vmov s31;
	v26 =	vor.u32 v1, v37  }
0x176: {  	v40 =	vshll.u32 v39, $0x3  }
0x177: {  	v41 =	vand.u32 $0x7C, v39;
	v42 =	vand.u32 $0xFFFFFC00, v40;
	[tilespmem:v25+s28+$0x0] =	vst.idx.msk $0xffff, v36  }
0x178: {  	[tilespmem:v23+s28+$0x0] =	vst.idx.msk $0xffff, v27;
	v23 =	vor.u32 v41, v42  }
0x179: {  	v44 =	vbroadcast v20, $0xD;
	v43 =	vld.idx.msk [tilespmem:v38+s22+$0x0], $0xffff;
	v25 =	vadd.s32 v2, v23  }
0x17a: {  	v26 =	vld.idx.msk [tilespmem:v26+s22+$0x0], $0xffff;
	v23 =	vadd.s32 v3, v23  }
0x17b: {  	v45 =	vor.u32 v0, v44;
	s31 =	sadd.s32 $0x5, s1  }
0x17c: {  	v46 =	vmov s31;
	v27 =	vor.u32 v1, v44  }
0x17d: {  	v47 =	vshll.u32 v46, $0x3  }
0x17e: {  	v48 =	vand.u32 $0x7D, v46;
	v49 =	vand.u32 $0xFFFFFC00, v47;
	[tilespmem:v25+s28+$0x0] =	vst.idx.msk $0xffff, v43  }
0x17f: {  	[tilespmem:v23+s28+$0x0] =	vst.idx.msk $0xffff, v26;
	v23 =	vor.u32 v48, v49  }
0x180: {  	v51 =	vbroadcast v20, $0xE;
	v50 =	vld.idx.msk [tilespmem:v45+s23+$0x0], $0xffff;
	v25 =	vadd.s32 v2, v23  }
0x181: {  	v27 =	vld.idx.msk [tilespmem:v27+s23+$0x0], $0xffff;
	v23 =	vadd.s32 v3, v23  }
0x182: {  	s31 =	sadd.s32 $0x6, s1;
	v52 =	vor.u32 v0, v51  }
0x183: {  	v53 =	vmov s31;
	v26 =	vor.u32 v1, v51  }
0x184: {  	v54 =	vshll.u32 v53, $0x3  }
0x185: {  	v55 =	vand.u32 $0x7E, v53;
	v56 =	vand.u32 $0xFFFFFC00, v54;
	[tilespmem:v25+s28+$0x0] =	vst.idx.msk $0xffff, v50  }
0x186: {  	[tilespmem:v23+s28+$0x0] =	vst.idx.msk $0xffff, v27;
	v23 =	vor.u32 v55, v56  }
0x187: {  	v20 =	vbroadcast v20, $0xF;
	v57 =	vld.idx.msk [tilespmem:v52+s24+$0x0], $0xffff;
	v25 =	vadd.s32 v2, v23  }
0x188: {  	v26 =	vld.idx.msk [tilespmem:v26+s24+$0x0], $0xffff;
	v23 =	vadd.s32 v3, v23  }
0x189: {  	s31 =	sadd.s32 $0x7, s1;
	v58 =	vor.u32 v0, v20  }
0x18a: {  	v20 =	vor.u32 v1, v20;
	v59 =	vmov s31  }
0x18b: {  	v60 =	vshll.u32 v59, $0x3  }
0x18c: {  	v61 =	vand.u32 $0x7F, v59;
	v62 =	vand.u32 $0xFFFFFC00, v60;
	[tilespmem:v25+s28+$0x0] =	vst.idx.msk $0xffff, v57  }
0x18d: {  	[tilespmem:v23+s28+$0x0] =	vst.idx.msk $0xffff, v26;
	v23 =	vor.u32 v61, v62  }
0x18e: {  	v63 =	vld.idx.msk [tilespmem:v58+s25+$0x0], $0xffff;
	v25 =	vadd.s32 v2, v23  }
0x18f: {  	v20 =	vld.idx.msk [tilespmem:v20+s25+$0x0], $0xffff;
	v23 =	vadd.s32 v3, v23  }
.Ltmp5:
0x190: {  	_ = 	snop;
	(pc) =	sbr.rel .LBB2_4-.Ltmp5, $3  }
0x191: {  	_ =	sdelay $0x1  }
0x192: {  	[tilespmem:v25+s28+$0x0] =	vst.idx.msk $0xffff, v63  }
0x193: {  	[tilespmem:v23+s28+$0x0] =	vst.idx.msk $0xffff, v20  }
.LBB2_6:
0x194: {  	_ =	sfence.sel $0x180000  }
0x195: {  	[bflag:$0x0] =	sbarrier.arrive $0xFFFF  }
0x196: {  	_ =	strace $0x90000047  }
0x197: {  	s0 =	stileid.u32;
	[bflag:$0x2] =	sbarrier.arrive $0xFFFF  }
0x198: {  	p0 =	sne.s32 s0, $0x0;
	s0 =	rddreg [dreg:$0x3]  }
0x199: {  	s0 =	sadd.s32 @!p0 $0x100000, s0  }
0x19a: {  	[sflag:s0] =	ssyncadd.tile.s32 @!p0 $0x1;
	_ =	shalt  }
.Lfunc_end2:
_tile_overlayer_lowered:
.L_overlay_start_2:
0x19b: {  	(tag) =	ssettag $0x2  }
0x19c: {  	s0 =	rddreg [dreg:$0x0];
	s2 =	stileid.u32  }
0x19d: {  	s1 =	rddreg [dreg:$0x1];
	p0 =	sne.s32 s2, $0x0  }
0x19e: {  	s3 =	rddreg [dreg:$0x2];
	[bflag:$0x3] =	sbarrier.arrive $0xFFFF;
	s2 =	simm.s32 @!p0 $0x1C03  }
0x19f: {  	[timem:s3], [sflag:s2] =	dma.local @!p0 [hbm:s0], s1  }
0x1a0: {  	s0 =	simm.s32 @!p0 $0x3  }
0x1a1: {  	_ =	swait.ge @!p0 [sflag:s0], s1  }
0x1a2: {  	s1 =	ssub.s32 @!p0 $0x0, s1;
	[sflag:s0] =	ssyncset.done @!p0 $0x0  }
0x1a3: {  	[sflag:s0] =	ssyncadd.s32 @!p0 s1  }
0x1a4: {  	[bflag:$0x3] =	sbarrier.arrive $0xFFFF  }
0x1a5: {  	_ =	shalt  }

</sc_bundles>
